<compile_context>
chip_gen: v7x
topology: tpu7x:2x2x1
jax: 0.10.2.dev20260603
libtpu: 0.0.44.dev20260713+nightly
codegen_flags: <defaults>
</compile_context>

<pallas_src>
import functools

import jax
import jax.numpy as jnp
from jax import lax
from jax.experimental import pallas as pl
from jax.experimental.pallas import tpu as pltpu
from jax.experimental.pallas import tpu_sc as plsc

_NUM_WORKERS = 32
_CHUNK = 64
_SUPER = 40


def kernel(src_ids, tgt_ids, node_ids, src_table, tgt_table, node_table):
    B, T = src_ids.shape
    S = B * T
    D = src_table.shape[1]
    per_w = S // _NUM_WORKERS
    n_chunks = per_w // _CHUNK
    n_super = n_chunks // _SUPER
    n_pairs = _SUPER // 2

    src_ids2 = src_ids.reshape(S // _CHUNK, _CHUNK)
    tgt_ids2 = tgt_ids.reshape(S // _CHUNK, _CHUNK)
    node_ids2 = node_ids.reshape(S // _CHUNK, _CHUNK)

    src_pad = jnp.pad(src_table, ((0, 0), (0, D)))
    tgt_pad = jnp.pad(tgt_table, ((0, 0), (0, D)))
    node_pad = jnp.pad(node_table, ((0, 0), (0, D)))

    mesh = plsc.VectorSubcoreMesh(core_axis_name="c", subcore_axis_name="s")

    @functools.partial(
        pl.kernel,
        mesh=mesh,
        out_type=jax.ShapeDtypeStruct((S, 3 * D), jnp.float32),
        scratch_types=[
            pltpu.VMEM((_SUPER, _CHUNK), jnp.int32),
            pltpu.VMEM((_SUPER, _CHUNK), jnp.int32),
            pltpu.VMEM((_SUPER, _CHUNK), jnp.int32),
            pltpu.VMEM((_CHUNK, 2 * D), jnp.float32),
            pltpu.VMEM((_CHUNK, 2 * D), jnp.float32),
            pltpu.VMEM((_CHUNK, 2 * D), jnp.float32),
            pltpu.VMEM((_CHUNK, 2 * D), jnp.float32),
            pltpu.VMEM((_CHUNK, 3 * D), jnp.float32),
            pltpu.VMEM((_CHUNK, 3 * D), jnp.float32),
            pltpu.VMEM_SHARED((1000, 2 * D), jnp.float32),
            pltpu.SemaphoreType.DMA,
            pltpu.SemaphoreType.DMA,
            pltpu.SemaphoreType.DMA,
            pltpu.SemaphoreType.DMA,
            pltpu.SemaphoreType.DMA,
            pltpu.SemaphoreType.DMA,
            pltpu.SemaphoreType.DMA,
            pltpu.SemaphoreType.DMA,
        ],
    )
    def emb_kernel(src_ids_hbm, tgt_ids_hbm, node_ids_hbm,
                   src_tab_hbm, tgt_tab_hbm, node_tab_hbm,
                   out_hbm,
                   idx_s, idx_t, idx_n,
                   tbuf0, tbuf1, nbuf0, nbuf1, stage0, stage1,
                   node_spmem,
                   sem_s0, sem_s1, sem_t0, sem_t1, sem_n0, sem_n1,
                   sem_o0, sem_o1):
        wid = lax.axis_index("s") * 2 + lax.axis_index("c")
        chunk_base = wid * n_chunks
        tbuf = (tbuf0, tbuf1)
        nbuf = (nbuf0, nbuf1)
        stage = (stage0, stage1)
        sem_s = (sem_s0, sem_s1)
        sem_t = (sem_t0, sem_t1)
        sem_n = (sem_n0, sem_n1)
        sem_o = (sem_o0, sem_o1)

        @pl.when(lax.axis_index("s") == 0)
        def _():
            pltpu.sync_copy(node_tab_hbm, node_spmem)

        plsc.subcore_barrier()

        def drain_out(b):
            pltpu.make_async_copy(stage[b], out_hbm.at[pl.ds(0, _CHUNK)],
                                  sem_o[b]).wait()

        def fire(sup, k, b):
            @pl.when((sup > 0) | (k > 1))
            def _():
                drain_out(b)

            pltpu.async_copy(src_tab_hbm.at[idx_s.at[k]],
                             stage[b].at[:, pl.ds(0, 2 * D)], sem_s[b])
            pltpu.async_copy(tgt_tab_hbm.at[idx_t.at[k]], tbuf[b], sem_t[b])
            pltpu.async_copy(node_spmem.at[idx_n.at[k]], nbuf[b], sem_n[b])

        def finish(sup, k, b):
            pltpu.make_async_copy(src_tab_hbm.at[idx_s.at[k]],
                                  stage[b].at[:, pl.ds(0, 2 * D)],
                                  sem_s[b]).wait()
            pltpu.make_async_copy(tgt_tab_hbm.at[idx_t.at[k]],
                                  tbuf[b], sem_t[b]).wait()
            pltpu.make_async_copy(node_spmem.at[idx_n.at[k]],
                                  nbuf[b], sem_n[b]).wait()

            def repack(r, carry2):
                for u in range(2):
                    for j in range(D // 16):
                        stage[b][2 * r + u, pl.ds(D + j * 16, 16)] = (
                            tbuf[b][2 * r + u, pl.ds(j * 16, 16)])
                        stage[b][2 * r + u, pl.ds(2 * D + j * 16, 16)] = (
                            nbuf[b][2 * r + u, pl.ds(j * 16, 16)])
                return carry2

            lax.fori_loop(0, _CHUNK // 2, repack, 0)
            off = (chunk_base + sup * _SUPER + k) * _CHUNK
            pltpu.async_copy(stage[b], out_hbm.at[pl.ds(off, _CHUNK)],
                             sem_o[b])

        def super_body(sup, carry):
            row0 = chunk_base + sup * _SUPER
            pltpu.sync_copy(src_ids_hbm.at[pl.ds(row0, _SUPER)], idx_s)
            pltpu.sync_copy(tgt_ids_hbm.at[pl.ds(row0, _SUPER)], idx_t)
            pltpu.sync_copy(node_ids_hbm.at[pl.ds(row0, _SUPER)], idx_n)
            fire(sup, 0, 0)

            def pair_body(j, carry2):
                k0 = 2 * j
                fire(sup, k0 + 1, 1)
                finish(sup, k0, 0)

                @pl.when(j < n_pairs - 1)
                def _():
                    fire(sup, k0 + 2, 0)

                finish(sup, k0 + 1, 1)
                return carry2

            lax.fori_loop(0, n_pairs, pair_body, 0)
            return carry

        lax.fori_loop(0, n_super, super_body, 0)
        drain_out(0)
        drain_out(1)

    out = emb_kernel(src_ids2, tgt_ids2, node_ids2,
                     src_pad, tgt_pad, node_pad)
    return out.reshape(B, T, 3 * D)

# --- scband reference (transcript-rebuilt; emitter-appended) ---
"""Pipeline reference for scband-model-embeddings-28724741275693 (READ-ONLY COPY).

The authoritative reference and input builder live on the scoring server;
editing this copy changes nothing except your own understanding.
"""

import jax, jax.numpy as jnp
import numpy as np

SRC_VOCAB = 100000
TGT_VOCAB = 100000
NODE_VOCAB = 1000
EMBED = 64
PAD = 0


def setup_inputs(seed: int = 0) -> dict:
    key = jax.random.key(seed)
    k1, k2, k3, k4, k5, k6 = jax.random.split(key, 6)
    src_ids = jax.random.randint(k1, (4096, 200), 0, SRC_VOCAB, dtype=jnp.int64 if jax.config.jax_enable_x64 else jnp.int32)
    tgt_ids = jax.random.randint(k2, (4096, 200), 0, TGT_VOCAB, dtype=jnp.int64 if jax.config.jax_enable_x64 else jnp.int32)
    node_ids = jax.random.randint(k3, (4096, 200), 0, NODE_VOCAB, dtype=jnp.int64 if jax.config.jax_enable_x64 else jnp.int32)
    src_table = jax.random.normal(k4, (SRC_VOCAB, EMBED), dtype=jnp.float32) * 0.02
    tgt_table = jax.random.normal(k5, (TGT_VOCAB, EMBED), dtype=jnp.float32) * 0.02
    node_table = jax.random.normal(k6, (NODE_VOCAB, EMBED), dtype=jnp.float32) * 0.02
    # padding_idx rows are zero-initialized (matches nn.Embedding padding_idx semantics)
    src_table = src_table.at[PAD].set(0.0)
    tgt_table = tgt_table.at[PAD].set(0.0)
    node_table = node_table.at[PAD].set(0.0)
    return {
        "src_ids": src_ids,
        "tgt_ids": tgt_ids,
        "node_ids": node_ids,
        "src_table": src_table,
        "tgt_table": tgt_table,
        "node_table": node_table,
    }


def _lookup(table, ids):
    emb = jnp.take(table, ids, axis=0)
    mask = (ids != PAD).astype(emb.dtype)[..., None]
    return emb * mask


def reference(src_ids, tgt_ids, node_ids, src_table, tgt_table, node_table):
    src_emb = _lookup(src_table, src_ids)
    tgt_emb = _lookup(tgt_table, tgt_ids)
    node_emb = _lookup(node_table, node_ids)
    return jnp.concatenate([src_emb, tgt_emb, node_emb], axis=-1)

if __name__ == "__main__":
    import jax
    _d = setup_inputs()
    print(jax.jit(kernel)(*tuple(_d.values())))

</pallas_src>

<mosaic_0001>
#map = affine_map<(d0, d1) -> (0, 0)>
module attributes {stable_mosaic.version = 14 : i64} {
  func.func @emb_kernel(%arg0: i32, %arg1: i32, %arg2: memref<12800x64xi32, #tpu.memory_space<hbm>>, %arg3: memref<12800x64xi32, #tpu.memory_space<hbm>>, %arg4: memref<12800x64xi32, #tpu.memory_space<hbm>>, %arg5: memref<100000x128xf32, #tpu.memory_space<hbm>>, %arg6: memref<100000x128xf32, #tpu.memory_space<hbm>>, %arg7: memref<1000x128xf32, #tpu.memory_space<hbm>>, %arg8: memref<819200x192xf32, #tpu.memory_space<hbm>>, %arg9: memref<40x64xi32, #tpu.memory_space<vmem>>, %arg10: memref<40x64xi32, #tpu.memory_space<vmem>>, %arg11: memref<40x64xi32, #tpu.memory_space<vmem>>, %arg12: memref<64x128xf32, #tpu.memory_space<vmem>>, %arg13: memref<64x128xf32, #tpu.memory_space<vmem>>, %arg14: memref<64x128xf32, #tpu.memory_space<vmem>>, %arg15: memref<64x128xf32, #tpu.memory_space<vmem>>, %arg16: memref<64x192xf32, #tpu.memory_space<vmem>>, %arg17: memref<64x192xf32, #tpu.memory_space<vmem>>, %arg18: memref<1000x128xf32, #tpu.memory_space<vmem_shared>>, %arg19: memref<!tpu.dma_semaphore, #tpu.memory_space<semaphore_mem>>, %arg20: memref<!tpu.dma_semaphore, #tpu.memory_space<semaphore_mem>>, %arg21: memref<!tpu.dma_semaphore, #tpu.memory_space<semaphore_mem>>, %arg22: memref<!tpu.dma_semaphore, #tpu.memory_space<semaphore_mem>>, %arg23: memref<!tpu.dma_semaphore, #tpu.memory_space<semaphore_mem>>, %arg24: memref<!tpu.dma_semaphore, #tpu.memory_space<semaphore_mem>>, %arg25: memref<!tpu.dma_semaphore, #tpu.memory_space<semaphore_mem>>, %arg26: memref<!tpu.dma_semaphore, #tpu.memory_space<semaphore_mem>>) attributes {dimension_semantics = [#tpu.dimension_semantics<core_parallel>, #tpu.dimension_semantics<subcore_parallel>], iteration_bounds = array<i64: 2, 16>, scalar_prefetch = 0 : i64, scratch_operands = 18 : i64, tpu.core_type = #tpu.core_type<sc_vector_subcore>, window_params = [{transform_indices = #map}, {transform_indices = #map}, {transform_indices = #map}, {transform_indices = #map}, {transform_indices = #map}, {transform_indices = #map}, {transform_indices = #map}]} {
    %mul3A = arith.constant 2 : i32
    %mul3A_0 = arith.muli %arg1, %mul3A : i32
    %add3A = arith.addi %mul3A_0, %arg0 : i32
    %mul3A_1 = arith.constant 400 : i32
    %mul3A_2 = arith.muli %add3A, %mul3A_1 : i32
    %eq3A = arith.constant 0 : i32
    %eq3A_3 = arith.cmpi eq, %arg1, %eq3A : i32
    %convert_element_type3A = arith.extui %eq3A_3 : i1 to i32
    %cond3A = arith.constant 0 : i32
    %cond3A_4 = arith.cmpi ne, %convert_element_type3A, %cond3A : i32
    scf.if %cond3A_4 {
      "tpu.region"() ({
        %run_scoped3A = tpu.sem_alloc : memref<!tpu.dma_semaphore, #tpu.memory_space<semaphore_mem>>
        tpu.enqueue_dma source(%arg7 : memref<1000x128xf32, #tpu.memory_space<hbm>>) target(%arg18 : memref<1000x128xf32, #tpu.memory_space<vmem_shared>>) target_semaphore(%run_scoped3A : memref<!tpu.dma_semaphore, #tpu.memory_space<semaphore_mem>>)
        tpu.wait_dma2 semaphore(%run_scoped3A : memref<!tpu.dma_semaphore, #tpu.memory_space<semaphore_mem>>) src(%arg7 : memref<1000x128xf32, #tpu.memory_space<hbm>>) dst(%arg18 : memref<1000x128xf32, #tpu.memory_space<vmem_shared>>)
        tpu.yield
      }) : () -> ()
    } else {
    }
    %barrier3A = arith.constant 0 : index
    tpu.barrier barrier_id(%barrier3A)
    %scan3A = arith.constant 0 : i32
    %scan3A_5 = arith.constant 0 : i32
    %scan3A_6 = arith.constant 10 : i32
    %scan3A_7 = arith.addi %scan3A_5, %scan3A_6 : i32
    %scan3A_8 = arith.constant 1 : i32
    scf.for %scan3A_21 = %scan3A_5 to %scan3A_7 step %scan3A_8  : i32 {
      %mul3A_22 = arith.constant 40 : i32
      %mul3A_23 = arith.muli %scan3A_21, %mul3A_22 : i32
      %add3A_24 = arith.addi %mul3A_2, %mul3A_23 : i32
      "tpu.region"() ({
        %run_scoped3A = tpu.sem_alloc : memref<!tpu.dma_semaphore, #tpu.memory_space<semaphore_mem>>
        %dma_start3A_59 = arith.constant 0 : i32
        %dma_start3A_60 = tpu.memref_slice %arg2[%add3A_24, %dma_start3A_59] : memref<12800x64xi32, #tpu.memory_space<hbm>> -> memref<40x64xi32, #tpu.memory_space<hbm>>
        %dma_start3A_61 = arith.constant 0 : i32
        %dma_start3A_62 = tpu.memref_slice %arg2[%add3A_24, %dma_start3A_61] : memref<12800x64xi32, #tpu.memory_space<hbm>> -> memref<40x64xi32, #tpu.memory_space<hbm>>
        tpu.enqueue_dma source(%dma_start3A_62 : memref<40x64xi32, #tpu.memory_space<hbm>>) target(%arg9 : memref<40x64xi32, #tpu.memory_space<vmem>>) target_semaphore(%run_scoped3A : memref<!tpu.dma_semaphore, #tpu.memory_space<semaphore_mem>>)
        %dma_wait3A_63 = arith.constant 0 : i32
        %dma_wait3A_64 = tpu.memref_slice %arg2[%add3A_24, %dma_wait3A_63] : memref<12800x64xi32, #tpu.memory_space<hbm>> -> memref<40x64xi32, #tpu.memory_space<hbm>>
        %dma_wait3A_65 = arith.constant 0 : i32
        %dma_wait3A_66 = tpu.memref_slice %arg2[%add3A_24, %dma_wait3A_65] : memref<12800x64xi32, #tpu.memory_space<hbm>> -> memref<40x64xi32, #tpu.memory_space<hbm>>
        tpu.wait_dma2 semaphore(%run_scoped3A : memref<!tpu.dma_semaphore, #tpu.memory_space<semaphore_mem>>) src(%dma_wait3A_66 : memref<40x64xi32, #tpu.memory_space<hbm>>) dst(%arg9 : memref<40x64xi32, #tpu.memory_space<vmem>>)
        tpu.yield
      }) : () -> ()
      "tpu.region"() ({
        %run_scoped3A = tpu.sem_alloc : memref<!tpu.dma_semaphore, #tpu.memory_space<semaphore_mem>>
        %dma_start3A_59 = arith.constant 0 : i32
        %dma_start3A_60 = tpu.memref_slice %arg3[%add3A_24, %dma_start3A_59] : memref<12800x64xi32, #tpu.memory_space<hbm>> -> memref<40x64xi32, #tpu.memory_space<hbm>>
        %dma_start3A_61 = arith.constant 0 : i32
        %dma_start3A_62 = tpu.memref_slice %arg3[%add3A_24, %dma_start3A_61] : memref<12800x64xi32, #tpu.memory_space<hbm>> -> memref<40x64xi32, #tpu.memory_space<hbm>>
        tpu.enqueue_dma source(%dma_start3A_62 : memref<40x64xi32, #tpu.memory_space<hbm>>) target(%arg10 : memref<40x64xi32, #tpu.memory_space<vmem>>) target_semaphore(%run_scoped3A : memref<!tpu.dma_semaphore, #tpu.memory_space<semaphore_mem>>)
        %dma_wait3A_63 = arith.constant 0 : i32
        %dma_wait3A_64 = tpu.memref_slice %arg3[%add3A_24, %dma_wait3A_63] : memref<12800x64xi32, #tpu.memory_space<hbm>> -> memref<40x64xi32, #tpu.memory_space<hbm>>
        %dma_wait3A_65 = arith.constant 0 : i32
        %dma_wait3A_66 = tpu.memref_slice %arg3[%add3A_24, %dma_wait3A_65] : memref<12800x64xi32, #tpu.memory_space<hbm>> -> memref<40x64xi32, #tpu.memory_space<hbm>>
        tpu.wait_dma2 semaphore(%run_scoped3A : memref<!tpu.dma_semaphore, #tpu.memory_space<semaphore_mem>>) src(%dma_wait3A_66 : memref<40x64xi32, #tpu.memory_space<hbm>>) dst(%arg10 : memref<40x64xi32, #tpu.memory_space<vmem>>)
        tpu.yield
      }) : () -> ()
      "tpu.region"() ({
        %run_scoped3A = tpu.sem_alloc : memref<!tpu.dma_semaphore, #tpu.memory_space<semaphore_mem>>
        %dma_start3A_59 = arith.constant 0 : i32
        %dma_start3A_60 = tpu.memref_slice %arg4[%add3A_24, %dma_start3A_59] : memref<12800x64xi32, #tpu.memory_space<hbm>> -> memref<40x64xi32, #tpu.memory_space<hbm>>
        %dma_start3A_61 = arith.constant 0 : i32
        %dma_start3A_62 = tpu.memref_slice %arg4[%add3A_24, %dma_start3A_61] : memref<12800x64xi32, #tpu.memory_space<hbm>> -> memref<40x64xi32, #tpu.memory_space<hbm>>
        tpu.enqueue_dma source(%dma_start3A_62 : memref<40x64xi32, #tpu.memory_space<hbm>>) target(%arg11 : memref<40x64xi32, #tpu.memory_space<vmem>>) target_semaphore(%run_scoped3A : memref<!tpu.dma_semaphore, #tpu.memory_space<semaphore_mem>>)
        %dma_wait3A_63 = arith.constant 0 : i32
        %dma_wait3A_64 = tpu.memref_slice %arg4[%add3A_24, %dma_wait3A_63] : memref<12800x64xi32, #tpu.memory_space<hbm>> -> memref<40x64xi32, #tpu.memory_space<hbm>>
        %dma_wait3A_65 = arith.constant 0 : i32
        %dma_wait3A_66 = tpu.memref_slice %arg4[%add3A_24, %dma_wait3A_65] : memref<12800x64xi32, #tpu.memory_space<hbm>> -> memref<40x64xi32, #tpu.memory_space<hbm>>
        tpu.wait_dma2 semaphore(%run_scoped3A : memref<!tpu.dma_semaphore, #tpu.memory_space<semaphore_mem>>) src(%dma_wait3A_66 : memref<40x64xi32, #tpu.memory_space<hbm>>) dst(%arg11 : memref<40x64xi32, #tpu.memory_space<vmem>>)
        tpu.yield
      }) : () -> ()
      %gt3A = arith.constant 0 : i32
      %gt3A_25 = arith.cmpi sgt, %scan3A_21, %gt3A : i32
      %or3A = arith.constant false
      %or3A_26 = arith.ori %gt3A_25, %or3A : i1
      %convert_element_type3A_27 = arith.extui %or3A_26 : i1 to i32
      %cond3A_28 = arith.constant 0 : i32
      %cond3A_29 = arith.cmpi ne, %convert_element_type3A_27, %cond3A_28 : i32
      scf.if %cond3A_29 {
        %dma_wait3A_59 = arith.constant 0 : i32
        %dma_wait3A_60 = arith.constant 0 : i32
        %dma_wait3A_61 = tpu.memref_slice %arg8[%dma_wait3A_59, %dma_wait3A_60] : memref<819200x192xf32, #tpu.memory_space<hbm>> -> memref<64x192xf32, #tpu.memory_space<hbm>>
        %dma_wait3A_62 = arith.constant 0 : i32
        %dma_wait3A_63 = arith.constant 0 : i32
        %dma_wait3A_64 = tpu.memref_slice %arg8[%dma_wait3A_62, %dma_wait3A_63] : memref<819200x192xf32, #tpu.memory_space<hbm>> -> memref<64x192xf32, #tpu.memory_space<hbm>>
        tpu.wait_dma2 semaphore(%arg25 : memref<!tpu.dma_semaphore, #tpu.memory_space<semaphore_mem>>) src(%arg16 : memref<64x192xf32, #tpu.memory_space<vmem>>) dst(%dma_wait3A_64 : memref<64x192xf32, #tpu.memory_space<hbm>>)
      } else {
      }
      %dma_start3A = arith.constant 0 : i32
      %dma_start3A_30 = arith.constant 0 : i32
      %dma_start3A_31 = arith.constant 0 : i32
      %dma_start3A_32 = tpu.memref_slice %arg16[%dma_start3A_30, %dma_start3A_31] : memref<64x192xf32, #tpu.memory_space<vmem>> -> memref<64x128xf32, #tpu.memory_space<vmem>>
      %dma_start3A_33 = arith.constant 0 : i32
      %dma_start3A_34 = tpu.memref_slice %arg9[%dma_start3A, %dma_start3A_33] : memref<40x64xi32, #tpu.memory_space<vmem>> -> memref<1x64xi32, #tpu.memory_space<vmem>>
      %dma_start3A_35 = tpu.memref_squeeze %dma_start3A_34 : memref<1x64xi32, #tpu.memory_space<vmem>> -> memref<64xi32, #tpu.memory_space<vmem>>
      %dma_start3A_36 = arith.constant 0 : i32
      %dma_start3A_37 = arith.constant 0 : i32
      %dma_start3A_38 = tpu.memref_slice %arg5[%dma_start3A_36, %dma_start3A_37] : memref<100000x128xf32, #tpu.memory_space<hbm>> -> memref<100000x128xf32, #tpu.memory_space<hbm>>
      tpu.enqueue_indirect_dma source(%dma_start3A_38 : memref<100000x128xf32, #tpu.memory_space<hbm>>) target(%dma_start3A_32 : memref<64x128xf32, #tpu.memory_space<vmem>>) offsets(%dma_start3A_35 : memref<64xi32, #tpu.memory_space<vmem>>) semaphore(%arg19 : memref<!tpu.dma_semaphore, #tpu.memory_space<semaphore_mem>>)
      %dma_start3A_39 = arith.constant 0 : i32
      %dma_start3A_40 = arith.constant 0 : i32
      %dma_start3A_41 = tpu.memref_slice %arg10[%dma_start3A_39, %dma_start3A_40] : memref<40x64xi32, #tpu.memory_space<vmem>> -> memref<1x64xi32, #tpu.memory_space<vmem>>
      %dma_start3A_42 = tpu.memref_squeeze %dma_start3A_41 : memref<1x64xi32, #tpu.memory_space<vmem>> -> memref<64xi32, #tpu.memory_space<vmem>>
      %dma_start3A_43 = arith.constant 0 : i32
      %dma_start3A_44 = arith.constant 0 : i32
      %dma_start3A_45 = tpu.memref_slice %arg6[%dma_start3A_43, %dma_start3A_44] : memref<100000x128xf32, #tpu.memory_space<hbm>> -> memref<100000x128xf32, #tpu.memory_space<hbm>>
      tpu.enqueue_indirect_dma source(%dma_start3A_45 : memref<100000x128xf32, #tpu.memory_space<hbm>>) target(%arg12 : memref<64x128xf32, #tpu.memory_space<vmem>>) offsets(%dma_start3A_42 : memref<64xi32, #tpu.memory_space<vmem>>) semaphore(%arg21 : memref<!tpu.dma_semaphore, #tpu.memory_space<semaphore_mem>>)
      %dma_start3A_46 = arith.constant 0 : i32
      %dma_start3A_47 = arith.constant 0 : i32
      %dma_start3A_48 = tpu.memref_slice %arg11[%dma_start3A_46, %dma_start3A_47] : memref<40x64xi32, #tpu.memory_space<vmem>> -> memref<1x64xi32, #tpu.memory_space<vmem>>
      %dma_start3A_49 = tpu.memref_squeeze %dma_start3A_48 : memref<1x64xi32, #tpu.memory_space<vmem>> -> memref<64xi32, #tpu.memory_space<vmem>>
      %dma_start3A_50 = arith.constant 0 : i32
      %dma_start3A_51 = arith.constant 0 : i32
      %dma_start3A_52 = tpu.memref_slice %arg18[%dma_start3A_50, %dma_start3A_51] : memref<1000x128xf32, #tpu.memory_space<vmem_shared>> -> memref<1000x128xf32, #tpu.memory_space<vmem_shared>>
      tpu.enqueue_indirect_dma source(%dma_start3A_52 : memref<1000x128xf32, #tpu.memory_space<vmem_shared>>) target(%arg14 : memref<64x128xf32, #tpu.memory_space<vmem>>) offsets(%dma_start3A_49 : memref<64xi32, #tpu.memory_space<vmem>>) semaphore(%arg23 : memref<!tpu.dma_semaphore, #tpu.memory_space<semaphore_mem>>)
      %scan3A_53 = arith.constant 0 : i32
      %scan3A_54 = arith.constant 0 : i32
      %scan3A_55 = arith.constant 20 : i32
      %scan3A_56 = arith.addi %scan3A_54, %scan3A_55 : i32
      %scan3A_57 = arith.constant 1 : i32
      scf.for %scan3A_59 = %scan3A_54 to %scan3A_56 step %scan3A_57  : i32 {
        %mul3A_60 = arith.constant 2 : i32
        %mul3A_61 = arith.muli %mul3A_60, %scan3A_59 : i32
        %add3A_62 = arith.constant 1 : i32
        %add3A_63 = arith.addi %mul3A_61, %add3A_62 : i32
        %gt3A_64 = arith.constant 0 : i32
        %gt3A_65 = arith.cmpi sgt, %scan3A_21, %gt3A_64 : i32
        %gt3A_66 = arith.constant 1 : i32
        %gt3A_67 = arith.cmpi sgt, %add3A_63, %gt3A_66 : i32
        %or3A_68 = arith.ori %gt3A_65, %gt3A_67 : i1
        %convert_element_type3A_69 = arith.extui %or3A_68 : i1 to i32
        %cond3A_70 = arith.constant 0 : i32
        %cond3A_71 = arith.cmpi ne, %convert_element_type3A_69, %cond3A_70 : i32
        scf.if %cond3A_71 {
          %dma_wait3A_173 = arith.constant 0 : i32
          %dma_wait3A_174 = arith.constant 0 : i32
          %dma_wait3A_175 = tpu.memref_slice %arg8[%dma_wait3A_173, %dma_wait3A_174] : memref<819200x192xf32, #tpu.memory_space<hbm>> -> memref<64x192xf32, #tpu.memory_space<hbm>>
          %dma_wait3A_176 = arith.constant 0 : i32
          %dma_wait3A_177 = arith.constant 0 : i32
          %dma_wait3A_178 = tpu.memref_slice %arg8[%dma_wait3A_176, %dma_wait3A_177] : memref<819200x192xf32, #tpu.memory_space<hbm>> -> memref<64x192xf32, #tpu.memory_space<hbm>>
          tpu.wait_dma2 semaphore(%arg26 : memref<!tpu.dma_semaphore, #tpu.memory_space<semaphore_mem>>) src(%arg17 : memref<64x192xf32, #tpu.memory_space<vmem>>) dst(%dma_wait3A_178 : memref<64x192xf32, #tpu.memory_space<hbm>>)
        } else {
        }
        %dma_start3A_72 = arith.constant 0 : i32
        %dma_start3A_73 = arith.constant 0 : i32
        %dma_start3A_74 = tpu.memref_slice %arg17[%dma_start3A_72, %dma_start3A_73] : memref<64x192xf32, #tpu.memory_space<vmem>> -> memref<64x128xf32, #tpu.memory_space<vmem>>
        %dma_start3A_75 = arith.constant 0 : i32
        %dma_start3A_76 = tpu.memref_slice %arg9[%add3A_63, %dma_start3A_75] : memref<40x64xi32, #tpu.memory_space<vmem>> -> memref<1x64xi32, #tpu.memory_space<vmem>>
        %dma_start3A_77 = tpu.memref_squeeze %dma_start3A_76 : memref<1x64xi32, #tpu.memory_space<vmem>> -> memref<64xi32, #tpu.memory_space<vmem>>
        %dma_start3A_78 = arith.constant 0 : i32
        %dma_start3A_79 = arith.constant 0 : i32
        %dma_start3A_80 = tpu.memref_slice %arg5[%dma_start3A_78, %dma_start3A_79] : memref<100000x128xf32, #tpu.memory_space<hbm>> -> memref<100000x128xf32, #tpu.memory_space<hbm>>
        tpu.enqueue_indirect_dma source(%dma_start3A_80 : memref<100000x128xf32, #tpu.memory_space<hbm>>) target(%dma_start3A_74 : memref<64x128xf32, #tpu.memory_space<vmem>>) offsets(%dma_start3A_77 : memref<64xi32, #tpu.memory_space<vmem>>) semaphore(%arg20 : memref<!tpu.dma_semaphore, #tpu.memory_space<semaphore_mem>>)
        %dma_start3A_81 = arith.constant 0 : i32
        %dma_start3A_82 = tpu.memref_slice %arg10[%add3A_63, %dma_start3A_81] : memref<40x64xi32, #tpu.memory_space<vmem>> -> memref<1x64xi32, #tpu.memory_space<vmem>>
        %dma_start3A_83 = tpu.memref_squeeze %dma_start3A_82 : memref<1x64xi32, #tpu.memory_space<vmem>> -> memref<64xi32, #tpu.memory_space<vmem>>
        %dma_start3A_84 = arith.constant 0 : i32
        %dma_start3A_85 = arith.constant 0 : i32
        %dma_start3A_86 = tpu.memref_slice %arg6[%dma_start3A_84, %dma_start3A_85] : memref<100000x128xf32, #tpu.memory_space<hbm>> -> memref<100000x128xf32, #tpu.memory_space<hbm>>
        tpu.enqueue_indirect_dma source(%dma_start3A_86 : memref<100000x128xf32, #tpu.memory_space<hbm>>) target(%arg13 : memref<64x128xf32, #tpu.memory_space<vmem>>) offsets(%dma_start3A_83 : memref<64xi32, #tpu.memory_space<vmem>>) semaphore(%arg22 : memref<!tpu.dma_semaphore, #tpu.memory_space<semaphore_mem>>)
        %dma_start3A_87 = arith.constant 0 : i32
        %dma_start3A_88 = tpu.memref_slice %arg11[%add3A_63, %dma_start3A_87] : memref<40x64xi32, #tpu.memory_space<vmem>> -> memref<1x64xi32, #tpu.memory_space<vmem>>
        %dma_start3A_89 = tpu.memref_squeeze %dma_start3A_88 : memref<1x64xi32, #tpu.memory_space<vmem>> -> memref<64xi32, #tpu.memory_space<vmem>>
        %dma_start3A_90 = arith.constant 0 : i32
        %dma_start3A_91 = arith.constant 0 : i32
        %dma_start3A_92 = tpu.memref_slice %arg18[%dma_start3A_90, %dma_start3A_91] : memref<1000x128xf32, #tpu.memory_space<vmem_shared>> -> memref<1000x128xf32, #tpu.memory_space<vmem_shared>>
        tpu.enqueue_indirect_dma source(%dma_start3A_92 : memref<1000x128xf32, #tpu.memory_space<vmem_shared>>) target(%arg15 : memref<64x128xf32, #tpu.memory_space<vmem>>) offsets(%dma_start3A_89 : memref<64xi32, #tpu.memory_space<vmem>>) semaphore(%arg24 : memref<!tpu.dma_semaphore, #tpu.memory_space<semaphore_mem>>)
        %dma_wait3A_93 = arith.constant 0 : i32
        %dma_wait3A_94 = arith.constant 0 : i32
        %dma_wait3A_95 = tpu.memref_slice %arg16[%dma_wait3A_93, %dma_wait3A_94] : memref<64x192xf32, #tpu.memory_space<vmem>> -> memref<64x128xf32, #tpu.memory_space<vmem>>
        %dma_wait3A_96 = arith.constant 0 : i32
        %dma_wait3A_97 = tpu.memref_slice %arg9[%mul3A_61, %dma_wait3A_96] : memref<40x64xi32, #tpu.memory_space<vmem>> -> memref<1x64xi32, #tpu.memory_space<vmem>>
        %dma_wait3A_98 = tpu.memref_squeeze %dma_wait3A_97 : memref<1x64xi32, #tpu.memory_space<vmem>> -> memref<64xi32, #tpu.memory_space<vmem>>
        %dma_wait3A_99 = arith.constant 0 : i32
        %dma_wait3A_100 = arith.constant 0 : i32
        %dma_wait3A_101 = tpu.memref_slice %arg5[%dma_wait3A_99, %dma_wait3A_100] : memref<100000x128xf32, #tpu.memory_space<hbm>> -> memref<100000x128xf32, #tpu.memory_space<hbm>>
        tpu.wait_indirect_dma semaphore(%arg19 : memref<!tpu.dma_semaphore, #tpu.memory_space<semaphore_mem>>) src(%dma_wait3A_101 : memref<100000x128xf32, #tpu.memory_space<hbm>>) dst(%dma_wait3A_95 : memref<64x128xf32, #tpu.memory_space<vmem>>)
        %dma_wait3A_102 = arith.constant 0 : i32
        %dma_wait3A_103 = tpu.memref_slice %arg10[%mul3A_61, %dma_wait3A_102] : memref<40x64xi32, #tpu.memory_space<vmem>> -> memref<1x64xi32, #tpu.memory_space<vmem>>
        %dma_wait3A_104 = tpu.memref_squeeze %dma_wait3A_103 : memref<1x64xi32, #tpu.memory_space<vmem>> -> memref<64xi32, #tpu.memory_space<vmem>>
        %dma_wait3A_105 = arith.constant 0 : i32
        %dma_wait3A_106 = arith.constant 0 : i32
        %dma_wait3A_107 = tpu.memref_slice %arg6[%dma_wait3A_105, %dma_wait3A_106] : memref<100000x128xf32, #tpu.memory_space<hbm>> -> memref<100000x128xf32, #tpu.memory_space<hbm>>
        tpu.wait_indirect_dma semaphore(%arg21 : memref<!tpu.dma_semaphore, #tpu.memory_space<semaphore_mem>>) src(%dma_wait3A_107 : memref<100000x128xf32, #tpu.memory_space<hbm>>) dst(%arg12 : memref<64x128xf32, #tpu.memory_space<vmem>>)
        %dma_wait3A_108 = arith.constant 0 : i32
        %dma_wait3A_109 = tpu.memref_slice %arg11[%mul3A_61, %dma_wait3A_108] : memref<40x64xi32, #tpu.memory_space<vmem>> -> memref<1x64xi32, #tpu.memory_space<vmem>>
        %dma_wait3A_110 = tpu.memref_squeeze %dma_wait3A_109 : memref<1x64xi32, #tpu.memory_space<vmem>> -> memref<64xi32, #tpu.memory_space<vmem>>
        %dma_wait3A_111 = arith.constant 0 : i32
        %dma_wait3A_112 = arith.constant 0 : i32
        %dma_wait3A_113 = tpu.memref_slice %arg18[%dma_wait3A_111, %dma_wait3A_112] : memref<1000x128xf32, #tpu.memory_space<vmem_shared>> -> memref<1000x128xf32, #tpu.memory_space<vmem_shared>>
        tpu.wait_indirect_dma semaphore(%arg23 : memref<!tpu.dma_semaphore, #tpu.memory_space<semaphore_mem>>) src(%dma_wait3A_113 : memref<1000x128xf32, #tpu.memory_space<vmem_shared>>) dst(%arg14 : memref<64x128xf32, #tpu.memory_space<vmem>>)
        %scan3A_114 = arith.constant 0 : i32
        %scan3A_115 = arith.constant 0 : i32
        %scan3A_116 = arith.constant 32 : i32
        %scan3A_117 = arith.addi %scan3A_115, %scan3A_116 : i32
        %scan3A_118 = arith.constant 1 : i32
        scf.for %scan3A_173 = %scan3A_115 to %scan3A_117 step %scan3A_118  : i32 {
          %mul3A_174 = arith.constant 2 : i32
          %mul3A_175 = arith.muli %mul3A_174, %scan3A_173 : i32
          %add3A_176 = arith.constant 0 : i32
          %add3A_177 = arith.addi %mul3A_175, %add3A_176 : i32
          %get3A = arith.index_cast %add3A_177 : i32 to index
          %get3A_178 = arith.constant 0 : index
          %get3A_179 = tpu.vector_load %arg12[%get3A, %get3A_178] {strides = array<i32>} : memref<64x128xf32, #tpu.memory_space<vmem>>, vector<1x16xf32>,
          %get3A_180 = vector.shape_cast %get3A_179 : vector<1x16xf32> to vector<16xf32>
          %mul3A_181 = arith.constant 2 : i32
          %mul3A_182 = arith.muli %mul3A_181, %scan3A_173 : i32
          %add3A_183 = arith.constant 0 : i32
          %add3A_184 = arith.addi %mul3A_182, %add3A_183 : i32
          %swap3A = arith.index_cast %add3A_184 : i32 to index
          %swap3A_185 = arith.constant 64 : index
          %swap3A_186 = tpu.vector_load %arg16[%swap3A, %swap3A_185] {strides = array<i32>} : memref<64x192xf32, #tpu.memory_space<vmem>>, vector<1x16xf32>,
          %swap3A_187 = vector.shape_cast %swap3A_186 : vector<1x16xf32> to vector<16xf32>
          %swap3A_188 = vector.shape_cast %get3A_180 : vector<16xf32> to vector<1x16xf32>
          tpu.vector_store %arg16[%swap3A, %swap3A_185], %swap3A_188 {strides = array<i32>} : memref<64x192xf32, #tpu.memory_space<vmem>>, vector<1x16xf32>,
          %mul3A_189 = arith.constant 2 : i32
          %mul3A_190 = arith.muli %mul3A_189, %scan3A_173 : i32
          %add3A_191 = arith.constant 0 : i32
          %add3A_192 = arith.addi %mul3A_190, %add3A_191 : i32
          %get3A_193 = arith.index_cast %add3A_192 : i32 to index
          %get3A_194 = arith.constant 0 : index
          %get3A_195 = tpu.vector_load %arg14[%get3A_193, %get3A_194] {strides = array<i32>} : memref<64x128xf32, #tpu.memory_space<vmem>>, vector<1x16xf32>,
          %get3A_196 = vector.shape_cast %get3A_195 : vector<1x16xf32> to vector<16xf32>
          %mul3A_197 = arith.constant 2 : i32
          %mul3A_198 = arith.muli %mul3A_197, %scan3A_173 : i32
          %add3A_199 = arith.constant 0 : i32
          %add3A_200 = arith.addi %mul3A_198, %add3A_199 : i32
          %swap3A_201 = arith.index_cast %add3A_200 : i32 to index
          %swap3A_202 = arith.constant 128 : index
          %swap3A_203 = tpu.vector_load %arg16[%swap3A_201, %swap3A_202] {strides = array<i32>} : memref<64x192xf32, #tpu.memory_space<vmem>>, vector<1x16xf32>,
          %swap3A_204 = vector.shape_cast %swap3A_203 : vector<1x16xf32> to vector<16xf32>
          %swap3A_205 = vector.shape_cast %get3A_196 : vector<16xf32> to vector<1x16xf32>
          tpu.vector_store %arg16[%swap3A_201, %swap3A_202], %swap3A_205 {strides = array<i32>} : memref<64x192xf32, #tpu.memory_space<vmem>>, vector<1x16xf32>,
          %mul3A_206 = arith.constant 2 : i32
          %mul3A_207 = arith.muli %mul3A_206, %scan3A_173 : i32
          %add3A_208 = arith.constant 0 : i32
          %add3A_209 = arith.addi %mul3A_207, %add3A_208 : i32
          %get3A_210 = arith.index_cast %add3A_209 : i32 to index
          %get3A_211 = arith.constant 16 : index
          %get3A_212 = tpu.vector_load %arg12[%get3A_210, %get3A_211] {strides = array<i32>} : memref<64x128xf32, #tpu.memory_space<vmem>>, vector<1x16xf32>,
          %get3A_213 = vector.shape_cast %get3A_212 : vector<1x16xf32> to vector<16xf32>
          %mul3A_214 = arith.constant 2 : i32
          %mul3A_215 = arith.muli %mul3A_214, %scan3A_173 : i32
          %add3A_216 = arith.constant 0 : i32
          %add3A_217 = arith.addi %mul3A_215, %add3A_216 : i32
          %swap3A_218 = arith.index_cast %add3A_217 : i32 to index
          %swap3A_219 = arith.constant 80 : index
          %swap3A_220 = tpu.vector_load %arg16[%swap3A_218, %swap3A_219] {strides = array<i32>} : memref<64x192xf32, #tpu.memory_space<vmem>>, vector<1x16xf32>,
          %swap3A_221 = vector.shape_cast %swap3A_220 : vector<1x16xf32> to vector<16xf32>
          %swap3A_222 = vector.shape_cast %get3A_213 : vector<16xf32> to vector<1x16xf32>
          tpu.vector_store %arg16[%swap3A_218, %swap3A_219], %swap3A_222 {strides = array<i32>} : memref<64x192xf32, #tpu.memory_space<vmem>>, vector<1x16xf32>,
          %mul3A_223 = arith.constant 2 : i32
          %mul3A_224 = arith.muli %mul3A_223, %scan3A_173 : i32
          %add3A_225 = arith.constant 0 : i32
          %add3A_226 = arith.addi %mul3A_224, %add3A_225 : i32
          %get3A_227 = arith.index_cast %add3A_226 : i32 to index
          %get3A_228 = arith.constant 16 : index
          %get3A_229 = tpu.vector_load %arg14[%get3A_227, %get3A_228] {strides = array<i32>} : memref<64x128xf32, #tpu.memory_space<vmem>>, vector<1x16xf32>,
          %get3A_230 = vector.shape_cast %get3A_229 : vector<1x16xf32> to vector<16xf32>
          %mul3A_231 = arith.constant 2 : i32
          %mul3A_232 = arith.muli %mul3A_231, %scan3A_173 : i32
          %add3A_233 = arith.constant 0 : i32
          %add3A_234 = arith.addi %mul3A_232, %add3A_233 : i32
          %swap3A_235 = arith.index_cast %add3A_234 : i32 to index
          %swap3A_236 = arith.constant 144 : index
          %swap3A_237 = tpu.vector_load %arg16[%swap3A_235, %swap3A_236] {strides = array<i32>} : memref<64x192xf32, #tpu.memory_space<vmem>>, vector<1x16xf32>,
          %swap3A_238 = vector.shape_cast %swap3A_237 : vector<1x16xf32> to vector<16xf32>
          %swap3A_239 = vector.shape_cast %get3A_230 : vector<16xf32> to vector<1x16xf32>
          tpu.vector_store %arg16[%swap3A_235, %swap3A_236], %swap3A_239 {strides = array<i32>} : memref<64x192xf32, #tpu.memory_space<vmem>>, vector<1x16xf32>,
          %mul3A_240 = arith.constant 2 : i32
          %mul3A_241 = arith.muli %mul3A_240, %scan3A_173 : i32
          %add3A_242 = arith.constant 0 : i32
          %add3A_243 = arith.addi %mul3A_241, %add3A_242 : i32
          %get3A_244 = arith.index_cast %add3A_243 : i32 to index
          %get3A_245 = arith.constant 32 : index
          %get3A_246 = tpu.vector_load %arg12[%get3A_244, %get3A_245] {strides = array<i32>} : memref<64x128xf32, #tpu.memory_space<vmem>>, vector<1x16xf32>,
          %get3A_247 = vector.shape_cast %get3A_246 : vector<1x16xf32> to vector<16xf32>
          %mul3A_248 = arith.constant 2 : i32
          %mul3A_249 = arith.muli %mul3A_248, %scan3A_173 : i32
          %add3A_250 = arith.constant 0 : i32
          %add3A_251 = arith.addi %mul3A_249, %add3A_250 : i32
          %swap3A_252 = arith.index_cast %add3A_251 : i32 to index
          %swap3A_253 = arith.constant 96 : index
          %swap3A_254 = tpu.vector_load %arg16[%swap3A_252, %swap3A_253] {strides = array<i32>} : memref<64x192xf32, #tpu.memory_space<vmem>>, vector<1x16xf32>,
          %swap3A_255 = vector.shape_cast %swap3A_254 : vector<1x16xf32> to vector<16xf32>
          %swap3A_256 = vector.shape_cast %get3A_247 : vector<16xf32> to vector<1x16xf32>
          tpu.vector_store %arg16[%swap3A_252, %swap3A_253], %swap3A_256 {strides = array<i32>} : memref<64x192xf32, #tpu.memory_space<vmem>>, vector<1x16xf32>,
          %mul3A_257 = arith.constant 2 : i32
          %mul3A_258 = arith.muli %mul3A_257, %scan3A_173 : i32
          %add3A_259 = arith.constant 0 : i32
          %add3A_260 = arith.addi %mul3A_258, %add3A_259 : i32
          %get3A_261 = arith.index_cast %add3A_260 : i32 to index
          %get3A_262 = arith.constant 32 : index
          %get3A_263 = tpu.vector_load %arg14[%get3A_261, %get3A_262] {strides = array<i32>} : memref<64x128xf32, #tpu.memory_space<vmem>>, vector<1x16xf32>,
          %get3A_264 = vector.shape_cast %get3A_263 : vector<1x16xf32> to vector<16xf32>
          %mul3A_265 = arith.constant 2 : i32
          %mul3A_266 = arith.muli %mul3A_265, %scan3A_173 : i32
          %add3A_267 = arith.constant 0 : i32
          %add3A_268 = arith.addi %mul3A_266, %add3A_267 : i32
          %swap3A_269 = arith.index_cast %add3A_268 : i32 to index
          %swap3A_270 = arith.constant 160 : index
          %swap3A_271 = tpu.vector_load %arg16[%swap3A_269, %swap3A_270] {strides = array<i32>} : memref<64x192xf32, #tpu.memory_space<vmem>>, vector<1x16xf32>,
          %swap3A_272 = vector.shape_cast %swap3A_271 : vector<1x16xf32> to vector<16xf32>
          %swap3A_273 = vector.shape_cast %get3A_264 : vector<16xf32> to vector<1x16xf32>
          tpu.vector_store %arg16[%swap3A_269, %swap3A_270], %swap3A_273 {strides = array<i32>} : memref<64x192xf32, #tpu.memory_space<vmem>>, vector<1x16xf32>,
          %mul3A_274 = arith.constant 2 : i32
          %mul3A_275 = arith.muli %mul3A_274, %scan3A_173 : i32
          %add3A_276 = arith.constant 0 : i32
          %add3A_277 = arith.addi %mul3A_275, %add3A_276 : i32
          %get3A_278 = arith.index_cast %add3A_277 : i32 to index
          %get3A_279 = arith.constant 48 : index
          %get3A_280 = tpu.vector_load %arg12[%get3A_278, %get3A_279] {strides = array<i32>} : memref<64x128xf32, #tpu.memory_space<vmem>>, vector<1x16xf32>,
          %get3A_281 = vector.shape_cast %get3A_280 : vector<1x16xf32> to vector<16xf32>
          %mul3A_282 = arith.constant 2 : i32
          %mul3A_283 = arith.muli %mul3A_282, %scan3A_173 : i32
          %add3A_284 = arith.constant 0 : i32
          %add3A_285 = arith.addi %mul3A_283, %add3A_284 : i32
          %swap3A_286 = arith.index_cast %add3A_285 : i32 to index
          %swap3A_287 = arith.constant 112 : index
          %swap3A_288 = tpu.vector_load %arg16[%swap3A_286, %swap3A_287] {strides = array<i32>} : memref<64x192xf32, #tpu.memory_space<vmem>>, vector<1x16xf32>,
          %swap3A_289 = vector.shape_cast %swap3A_288 : vector<1x16xf32> to vector<16xf32>
          %swap3A_290 = vector.shape_cast %get3A_281 : vector<16xf32> to vector<1x16xf32>
          tpu.vector_store %arg16[%swap3A_286, %swap3A_287], %swap3A_290 {strides = array<i32>} : memref<64x192xf32, #tpu.memory_space<vmem>>, vector<1x16xf32>,
          %mul3A_291 = arith.constant 2 : i32
          %mul3A_292 = arith.muli %mul3A_291, %scan3A_173 : i32
          %add3A_293 = arith.constant 0 : i32
          %add3A_294 = arith.addi %mul3A_292, %add3A_293 : i32
          %get3A_295 = arith.index_cast %add3A_294 : i32 to index
          %get3A_296 = arith.constant 48 : index
          %get3A_297 = tpu.vector_load %arg14[%get3A_295, %get3A_296] {strides = array<i32>} : memref<64x128xf32, #tpu.memory_space<vmem>>, vector<1x16xf32>,
          %get3A_298 = vector.shape_cast %get3A_297 : vector<1x16xf32> to vector<16xf32>
          %mul3A_299 = arith.constant 2 : i32
          %mul3A_300 = arith.muli %mul3A_299, %scan3A_173 : i32
          %add3A_301 = arith.constant 0 : i32
          %add3A_302 = arith.addi %mul3A_300, %add3A_301 : i32
          %swap3A_303 = arith.index_cast %add3A_302 : i32 to index
          %swap3A_304 = arith.constant 176 : index
          %swap3A_305 = tpu.vector_load %arg16[%swap3A_303, %swap3A_304] {strides = array<i32>} : memref<64x192xf32, #tpu.memory_space<vmem>>, vector<1x16xf32>,
          %swap3A_306 = vector.shape_cast %swap3A_305 : vector<1x16xf32> to vector<16xf32>
          %swap3A_307 = vector.shape_cast %get3A_298 : vector<16xf32> to vector<1x16xf32>
          tpu.vector_store %arg16[%swap3A_303, %swap3A_304], %swap3A_307 {strides = array<i32>} : memref<64x192xf32, #tpu.memory_space<vmem>>, vector<1x16xf32>,
          %mul3A_308 = arith.constant 2 : i32
          %mul3A_309 = arith.muli %mul3A_308, %scan3A_173 : i32
          %add3A_310 = arith.constant 1 : i32
          %add3A_311 = arith.addi %mul3A_309, %add3A_310 : i32
          %get3A_312 = arith.index_cast %add3A_311 : i32 to index
          %get3A_313 = arith.constant 0 : index
          %get3A_314 = tpu.vector_load %arg12[%get3A_312, %get3A_313] {strides = array<i32>} : memref<64x128xf32, #tpu.memory_space<vmem>>, vector<1x16xf32>,
          %get3A_315 = vector.shape_cast %get3A_314 : vector<1x16xf32> to vector<16xf32>
          %mul3A_316 = arith.constant 2 : i32
          %mul3A_317 = arith.muli %mul3A_316, %scan3A_173 : i32
          %add3A_318 = arith.constant 1 : i32
          %add3A_319 = arith.addi %mul3A_317, %add3A_318 : i32
          %swap3A_320 = arith.index_cast %add3A_319 : i32 to index
          %swap3A_321 = arith.constant 64 : index
          %swap3A_322 = tpu.vector_load %arg16[%swap3A_320, %swap3A_321] {strides = array<i32>} : memref<64x192xf32, #tpu.memory_space<vmem>>, vector<1x16xf32>,
          %swap3A_323 = vector.shape_cast %swap3A_322 : vector<1x16xf32> to vector<16xf32>
          %swap3A_324 = vector.shape_cast %get3A_315 : vector<16xf32> to vector<1x16xf32>
          tpu.vector_store %arg16[%swap3A_320, %swap3A_321], %swap3A_324 {strides = array<i32>} : memref<64x192xf32, #tpu.memory_space<vmem>>, vector<1x16xf32>,
          %mul3A_325 = arith.constant 2 : i32
          %mul3A_326 = arith.muli %mul3A_325, %scan3A_173 : i32
          %add3A_327 = arith.constant 1 : i32
          %add3A_328 = arith.addi %mul3A_326, %add3A_327 : i32
          %get3A_329 = arith.index_cast %add3A_328 : i32 to index
          %get3A_330 = arith.constant 0 : index
          %get3A_331 = tpu.vector_load %arg14[%get3A_329, %get3A_330] {strides = array<i32>} : memref<64x128xf32, #tpu.memory_space<vmem>>, vector<1x16xf32>,
          %get3A_332 = vector.shape_cast %get3A_331 : vector<1x16xf32> to vector<16xf32>
          %mul3A_333 = arith.constant 2 : i32
          %mul3A_334 = arith.muli %mul3A_333, %scan3A_173 : i32
          %add3A_335 = arith.constant 1 : i32
          %add3A_336 = arith.addi %mul3A_334, %add3A_335 : i32
          %swap3A_337 = arith.index_cast %add3A_336 : i32 to index
          %swap3A_338 = arith.constant 128 : index
          %swap3A_339 = tpu.vector_load %arg16[%swap3A_337, %swap3A_338] {strides = array<i32>} : memref<64x192xf32, #tpu.memory_space<vmem>>, vector<1x16xf32>,
          %swap3A_340 = vector.shape_cast %swap3A_339 : vector<1x16xf32> to vector<16xf32>
          %swap3A_341 = vector.shape_cast %get3A_332 : vector<16xf32> to vector<1x16xf32>
          tpu.vector_store %arg16[%swap3A_337, %swap3A_338], %swap3A_341 {strides = array<i32>} : memref<64x192xf32, #tpu.memory_space<vmem>>, vector<1x16xf32>,
          %mul3A_342 = arith.constant 2 : i32
          %mul3A_343 = arith.muli %mul3A_342, %scan3A_173 : i32
          %add3A_344 = arith.constant 1 : i32
          %add3A_345 = arith.addi %mul3A_343, %add3A_344 : i32
          %get3A_346 = arith.index_cast %add3A_345 : i32 to index
          %get3A_347 = arith.constant 16 : index
          %get3A_348 = tpu.vector_load %arg12[%get3A_346, %get3A_347] {strides = array<i32>} : memref<64x128xf32, #tpu.memory_space<vmem>>, vector<1x16xf32>,
          %get3A_349 = vector.shape_cast %get3A_348 : vector<1x16xf32> to vector<16xf32>
          %mul3A_350 = arith.constant 2 : i32
          %mul3A_351 = arith.muli %mul3A_350, %scan3A_173 : i32
          %add3A_352 = arith.constant 1 : i32
          %add3A_353 = arith.addi %mul3A_351, %add3A_352 : i32
          %swap3A_354 = arith.index_cast %add3A_353 : i32 to index
          %swap3A_355 = arith.constant 80 : index
          %swap3A_356 = tpu.vector_load %arg16[%swap3A_354, %swap3A_355] {strides = array<i32>} : memref<64x192xf32, #tpu.memory_space<vmem>>, vector<1x16xf32>,
          %swap3A_357 = vector.shape_cast %swap3A_356 : vector<1x16xf32> to vector<16xf32>
          %swap3A_358 = vector.shape_cast %get3A_349 : vector<16xf32> to vector<1x16xf32>
          tpu.vector_store %arg16[%swap3A_354, %swap3A_355], %swap3A_358 {strides = array<i32>} : memref<64x192xf32, #tpu.memory_space<vmem>>, vector<1x16xf32>,
          %mul3A_359 = arith.constant 2 : i32
          %mul3A_360 = arith.muli %mul3A_359, %scan3A_173 : i32
          %add3A_361 = arith.constant 1 : i32
          %add3A_362 = arith.addi %mul3A_360, %add3A_361 : i32
          %get3A_363 = arith.index_cast %add3A_362 : i32 to index
          %get3A_364 = arith.constant 16 : index
          %get3A_365 = tpu.vector_load %arg14[%get3A_363, %get3A_364] {strides = array<i32>} : memref<64x128xf32, #tpu.memory_space<vmem>>, vector<1x16xf32>,
          %get3A_366 = vector.shape_cast %get3A_365 : vector<1x16xf32> to vector<16xf32>
          %mul3A_367 = arith.constant 2 : i32
          %mul3A_368 = arith.muli %mul3A_367, %scan3A_173 : i32
          %add3A_369 = arith.constant 1 : i32
          %add3A_370 = arith.addi %mul3A_368, %add3A_369 : i32
          %swap3A_371 = arith.index_cast %add3A_370 : i32 to index
          %swap3A_372 = arith.constant 144 : index
          %swap3A_373 = tpu.vector_load %arg16[%swap3A_371, %swap3A_372] {strides = array<i32>} : memref<64x192xf32, #tpu.memory_space<vmem>>, vector<1x16xf32>,
          %swap3A_374 = vector.shape_cast %swap3A_373 : vector<1x16xf32> to vector<16xf32>
          %swap3A_375 = vector.shape_cast %get3A_366 : vector<16xf32> to vector<1x16xf32>
          tpu.vector_store %arg16[%swap3A_371, %swap3A_372], %swap3A_375 {strides = array<i32>} : memref<64x192xf32, #tpu.memory_space<vmem>>, vector<1x16xf32>,
          %mul3A_376 = arith.constant 2 : i32
          %mul3A_377 = arith.muli %mul3A_376, %scan3A_173 : i32
          %add3A_378 = arith.constant 1 : i32
          %add3A_379 = arith.addi %mul3A_377, %add3A_378 : i32
          %get3A_380 = arith.index_cast %add3A_379 : i32 to index
          %get3A_381 = arith.constant 32 : index
          %get3A_382 = tpu.vector_load %arg12[%get3A_380, %get3A_381] {strides = array<i32>} : memref<64x128xf32, #tpu.memory_space<vmem>>, vector<1x16xf32>,
          %get3A_383 = vector.shape_cast %get3A_382 : vector<1x16xf32> to vector<16xf32>
          %mul3A_384 = arith.constant 2 : i32
          %mul3A_385 = arith.muli %mul3A_384, %scan3A_173 : i32
          %add3A_386 = arith.constant 1 : i32
          %add3A_387 = arith.addi %mul3A_385, %add3A_386 : i32
          %swap3A_388 = arith.index_cast %add3A_387 : i32 to index
          %swap3A_389 = arith.constant 96 : index
          %swap3A_390 = tpu.vector_load %arg16[%swap3A_388, %swap3A_389] {strides = array<i32>} : memref<64x192xf32, #tpu.memory_space<vmem>>, vector<1x16xf32>,
          %swap3A_391 = vector.shape_cast %swap3A_390 : vector<1x16xf32> to vector<16xf32>
          %swap3A_392 = vector.shape_cast %get3A_383 : vector<16xf32> to vector<1x16xf32>
          tpu.vector_store %arg16[%swap3A_388, %swap3A_389], %swap3A_392 {strides = array<i32>} : memref<64x192xf32, #tpu.memory_space<vmem>>, vector<1x16xf32>,
          %mul3A_393 = arith.constant 2 : i32
          %mul3A_394 = arith.muli %mul3A_393, %scan3A_173 : i32
          %add3A_395 = arith.constant 1 : i32
          %add3A_396 = arith.addi %mul3A_394, %add3A_395 : i32
          %get3A_397 = arith.index_cast %add3A_396 : i32 to index
          %get3A_398 = arith.constant 32 : index
          %get3A_399 = tpu.vector_load %arg14[%get3A_397, %get3A_398] {strides = array<i32>} : memref<64x128xf32, #tpu.memory_space<vmem>>, vector<1x16xf32>,
          %get3A_400 = vector.shape_cast %get3A_399 : vector<1x16xf32> to vector<16xf32>
          %mul3A_401 = arith.constant 2 : i32
          %mul3A_402 = arith.muli %mul3A_401, %scan3A_173 : i32
          %add3A_403 = arith.constant 1 : i32
          %add3A_404 = arith.addi %mul3A_402, %add3A_403 : i32
          %swap3A_405 = arith.index_cast %add3A_404 : i32 to index
          %swap3A_406 = arith.constant 160 : index
          %swap3A_407 = tpu.vector_load %arg16[%swap3A_405, %swap3A_406] {strides = array<i32>} : memref<64x192xf32, #tpu.memory_space<vmem>>, vector<1x16xf32>,
          %swap3A_408 = vector.shape_cast %swap3A_407 : vector<1x16xf32> to vector<16xf32>
          %swap3A_409 = vector.shape_cast %get3A_400 : vector<16xf32> to vector<1x16xf32>
          tpu.vector_store %arg16[%swap3A_405, %swap3A_406], %swap3A_409 {strides = array<i32>} : memref<64x192xf32, #tpu.memory_space<vmem>>, vector<1x16xf32>,
          %mul3A_410 = arith.constant 2 : i32
          %mul3A_411 = arith.muli %mul3A_410, %scan3A_173 : i32
          %add3A_412 = arith.constant 1 : i32
          %add3A_413 = arith.addi %mul3A_411, %add3A_412 : i32
          %get3A_414 = arith.index_cast %add3A_413 : i32 to index
          %get3A_415 = arith.constant 48 : index
          %get3A_416 = tpu.vector_load %arg12[%get3A_414, %get3A_415] {strides = array<i32>} : memref<64x128xf32, #tpu.memory_space<vmem>>, vector<1x16xf32>,
          %get3A_417 = vector.shape_cast %get3A_416 : vector<1x16xf32> to vector<16xf32>
          %mul3A_418 = arith.constant 2 : i32
          %mul3A_419 = arith.muli %mul3A_418, %scan3A_173 : i32
          %add3A_420 = arith.constant 1 : i32
          %add3A_421 = arith.addi %mul3A_419, %add3A_420 : i32
          %swap3A_422 = arith.index_cast %add3A_421 : i32 to index
          %swap3A_423 = arith.constant 112 : index
          %swap3A_424 = tpu.vector_load %arg16[%swap3A_422, %swap3A_423] {strides = array<i32>} : memref<64x192xf32, #tpu.memory_space<vmem>>, vector<1x16xf32>,
          %swap3A_425 = vector.shape_cast %swap3A_424 : vector<1x16xf32> to vector<16xf32>
          %swap3A_426 = vector.shape_cast %get3A_417 : vector<16xf32> to vector<1x16xf32>
          tpu.vector_store %arg16[%swap3A_422, %swap3A_423], %swap3A_426 {strides = array<i32>} : memref<64x192xf32, #tpu.memory_space<vmem>>, vector<1x16xf32>,
          %mul3A_427 = arith.constant 2 : i32
          %mul3A_428 = arith.muli %mul3A_427, %scan3A_173 : i32
          %add3A_429 = arith.constant 1 : i32
          %add3A_430 = arith.addi %mul3A_428, %add3A_429 : i32
          %get3A_431 = arith.index_cast %add3A_430 : i32 to index
          %get3A_432 = arith.constant 48 : index
          %get3A_433 = tpu.vector_load %arg14[%get3A_431, %get3A_432] {strides = array<i32>} : memref<64x128xf32, #tpu.memory_space<vmem>>, vector<1x16xf32>,
          %get3A_434 = vector.shape_cast %get3A_433 : vector<1x16xf32> to vector<16xf32>
          %mul3A_435 = arith.constant 2 : i32
          %mul3A_436 = arith.muli %mul3A_435, %scan3A_173 : i32
          %add3A_437 = arith.constant 1 : i32
          %add3A_438 = arith.addi %mul3A_436, %add3A_437 : i32
          %swap3A_439 = arith.index_cast %add3A_438 : i32 to index
          %swap3A_440 = arith.constant 176 : index
          %swap3A_441 = tpu.vector_load %arg16[%swap3A_439, %swap3A_440] {strides = array<i32>} : memref<64x192xf32, #tpu.memory_space<vmem>>, vector<1x16xf32>,
          %swap3A_442 = vector.shape_cast %swap3A_441 : vector<1x16xf32> to vector<16xf32>
          %swap3A_443 = vector.shape_cast %get3A_434 : vector<16xf32> to vector<1x16xf32>
          tpu.vector_store %arg16[%swap3A_439, %swap3A_440], %swap3A_443 {strides = array<i32>} : memref<64x192xf32, #tpu.memory_space<vmem>>, vector<1x16xf32>,
        }
        %scan3A_119 = arith.constant 32 : i32
        %mul3A_120 = arith.constant 40 : i32
        %mul3A_121 = arith.muli %scan3A_21, %mul3A_120 : i32
        %add3A_122 = arith.addi %mul3A_2, %mul3A_121 : i32
        %add3A_123 = arith.addi %add3A_122, %mul3A_61 : i32
        %mul3A_124 = arith.constant 64 : i32
        %mul3A_125 = arith.muli %add3A_123, %mul3A_124 : i32
        %dma_start3A_126 = arith.constant 0 : i32
        %dma_start3A_127 = tpu.memref_slice %arg8[%mul3A_125, %dma_start3A_126] : memref<819200x192xf32, #tpu.memory_space<hbm>> -> memref<64x192xf32, #tpu.memory_space<hbm>>
        %dma_start3A_128 = arith.constant 0 : i32
        %dma_start3A_129 = tpu.memref_slice %arg8[%mul3A_125, %dma_start3A_128] : memref<819200x192xf32, #tpu.memory_space<hbm>> -> memref<64x192xf32, #tpu.memory_space<hbm>>
        tpu.enqueue_dma source(%arg16 : memref<64x192xf32, #tpu.memory_space<vmem>>) target(%dma_start3A_129 : memref<64x192xf32, #tpu.memory_space<hbm>>) target_semaphore(%arg25 : memref<!tpu.dma_semaphore, #tpu.memory_space<semaphore_mem>>)
        %lt3A = arith.constant 19 : i32
        %lt3A_130 = arith.cmpi slt, %scan3A_59, %lt3A : i32
        %convert_element_type3A_131 = arith.extui %lt3A_130 : i1 to i32
        %cond3A_132 = arith.constant 0 : i32
        %cond3A_133 = arith.cmpi ne, %convert_element_type3A_131, %cond3A_132 : i32
        scf.if %cond3A_133 {
          %add3A_173 = arith.constant 2 : i32
          %add3A_174 = arith.addi %mul3A_61, %add3A_173 : i32
          %gt3A_175 = arith.constant 0 : i32
          %gt3A_176 = arith.cmpi sgt, %scan3A_21, %gt3A_175 : i32
          %gt3A_177 = arith.constant 1 : i32
          %gt3A_178 = arith.cmpi sgt, %add3A_174, %gt3A_177 : i32
          %or3A_179 = arith.ori %gt3A_176, %gt3A_178 : i1
          %convert_element_type3A_180 = arith.extui %or3A_179 : i1 to i32
          %cond3A_181 = arith.constant 0 : i32
          %cond3A_182 = arith.cmpi ne, %convert_element_type3A_180, %cond3A_181 : i32
          scf.if %cond3A_182 {
            %dma_wait3A_204 = arith.constant 0 : i32
            %dma_wait3A_205 = arith.constant 0 : i32
            %dma_wait3A_206 = tpu.memref_slice %arg8[%dma_wait3A_204, %dma_wait3A_205] : memref<819200x192xf32, #tpu.memory_space<hbm>> -> memref<64x192xf32, #tpu.memory_space<hbm>>
            %dma_wait3A_207 = arith.constant 0 : i32
            %dma_wait3A_208 = arith.constant 0 : i32
            %dma_wait3A_209 = tpu.memref_slice %arg8[%dma_wait3A_207, %dma_wait3A_208] : memref<819200x192xf32, #tpu.memory_space<hbm>> -> memref<64x192xf32, #tpu.memory_space<hbm>>
            tpu.wait_dma2 semaphore(%arg25 : memref<!tpu.dma_semaphore, #tpu.memory_space<semaphore_mem>>) src(%arg16 : memref<64x192xf32, #tpu.memory_space<vmem>>) dst(%dma_wait3A_209 : memref<64x192xf32, #tpu.memory_space<hbm>>)
          } else {
          }
          %dma_start3A_183 = arith.constant 0 : i32
          %dma_start3A_184 = arith.constant 0 : i32
          %dma_start3A_185 = tpu.memref_slice %arg16[%dma_start3A_183, %dma_start3A_184] : memref<64x192xf32, #tpu.memory_space<vmem>> -> memref<64x128xf32, #tpu.memory_space<vmem>>
          %dma_start3A_186 = arith.constant 0 : i32
          %dma_start3A_187 = tpu.memref_slice %arg9[%add3A_174, %dma_start3A_186] : memref<40x64xi32, #tpu.memory_space<vmem>> -> memref<1x64xi32, #tpu.memory_space<vmem>>
          %dma_start3A_188 = tpu.memref_squeeze %dma_start3A_187 : memref<1x64xi32, #tpu.memory_space<vmem>> -> memref<64xi32, #tpu.memory_space<vmem>>
          %dma_start3A_189 = arith.constant 0 : i32
          %dma_start3A_190 = arith.constant 0 : i32
          %dma_start3A_191 = tpu.memref_slice %arg5[%dma_start3A_189, %dma_start3A_190] : memref<100000x128xf32, #tpu.memory_space<hbm>> -> memref<100000x128xf32, #tpu.memory_space<hbm>>
          tpu.enqueue_indirect_dma source(%dma_start3A_191 : memref<100000x128xf32, #tpu.memory_space<hbm>>) target(%dma_start3A_185 : memref<64x128xf32, #tpu.memory_space<vmem>>) offsets(%dma_start3A_188 : memref<64xi32, #tpu.memory_space<vmem>>) semaphore(%arg19 : memref<!tpu.dma_semaphore, #tpu.memory_space<semaphore_mem>>)
          %dma_start3A_192 = arith.constant 0 : i32
          %dma_start3A_193 = tpu.memref_slice %arg10[%add3A_174, %dma_start3A_192] : memref<40x64xi32, #tpu.memory_space<vmem>> -> memref<1x64xi32, #tpu.memory_space<vmem>>
          %dma_start3A_194 = tpu.memref_squeeze %dma_start3A_193 : memref<1x64xi32, #tpu.memory_space<vmem>> -> memref<64xi32, #tpu.memory_space<vmem>>
          %dma_start3A_195 = arith.constant 0 : i32
          %dma_start3A_196 = arith.constant 0 : i32
          %dma_start3A_197 = tpu.memref_slice %arg6[%dma_start3A_195, %dma_start3A_196] : memref<100000x128xf32, #tpu.memory_space<hbm>> -> memref<100000x128xf32, #tpu.memory_space<hbm>>
          tpu.enqueue_indirect_dma source(%dma_start3A_197 : memref<100000x128xf32, #tpu.memory_space<hbm>>) target(%arg12 : memref<64x128xf32, #tpu.memory_space<vmem>>) offsets(%dma_start3A_194 : memref<64xi32, #tpu.memory_space<vmem>>) semaphore(%arg21 : memref<!tpu.dma_semaphore, #tpu.memory_space<semaphore_mem>>)
          %dma_start3A_198 = arith.constant 0 : i32
          %dma_start3A_199 = tpu.memref_slice %arg11[%add3A_174, %dma_start3A_198] : memref<40x64xi32, #tpu.memory_space<vmem>> -> memref<1x64xi32, #tpu.memory_space<vmem>>
          %dma_start3A_200 = tpu.memref_squeeze %dma_start3A_199 : memref<1x64xi32, #tpu.memory_space<vmem>> -> memref<64xi32, #tpu.memory_space<vmem>>
          %dma_start3A_201 = arith.constant 0 : i32
          %dma_start3A_202 = arith.constant 0 : i32
          %dma_start3A_203 = tpu.memref_slice %arg18[%dma_start3A_201, %dma_start3A_202] : memref<1000x128xf32, #tpu.memory_space<vmem_shared>> -> memref<1000x128xf32, #tpu.memory_space<vmem_shared>>
          tpu.enqueue_indirect_dma source(%dma_start3A_203 : memref<1000x128xf32, #tpu.memory_space<vmem_shared>>) target(%arg14 : memref<64x128xf32, #tpu.memory_space<vmem>>) offsets(%dma_start3A_200 : memref<64xi32, #tpu.memory_space<vmem>>) semaphore(%arg23 : memref<!tpu.dma_semaphore, #tpu.memory_space<semaphore_mem>>)
        } else {
        }
        %add3A_134 = arith.constant 1 : i32
        %add3A_135 = arith.addi %mul3A_61, %add3A_134 : i32
        %dma_wait3A_136 = arith.constant 0 : i32
        %dma_wait3A_137 = arith.constant 0 : i32
        %dma_wait3A_138 = tpu.memref_slice %arg17[%dma_wait3A_136, %dma_wait3A_137] : memref<64x192xf32, #tpu.memory_space<vmem>> -> memref<64x128xf32, #tpu.memory_space<vmem>>
        %dma_wait3A_139 = arith.constant 0 : i32
        %dma_wait3A_140 = tpu.memref_slice %arg9[%add3A_135, %dma_wait3A_139] : memref<40x64xi32, #tpu.memory_space<vmem>> -> memref<1x64xi32, #tpu.memory_space<vmem>>
        %dma_wait3A_141 = tpu.memref_squeeze %dma_wait3A_140 : memref<1x64xi32, #tpu.memory_space<vmem>> -> memref<64xi32, #tpu.memory_space<vmem>>
        %dma_wait3A_142 = arith.constant 0 : i32
        %dma_wait3A_143 = arith.constant 0 : i32
        %dma_wait3A_144 = tpu.memref_slice %arg5[%dma_wait3A_142, %dma_wait3A_143] : memref<100000x128xf32, #tpu.memory_space<hbm>> -> memref<100000x128xf32, #tpu.memory_space<hbm>>
        tpu.wait_indirect_dma semaphore(%arg20 : memref<!tpu.dma_semaphore, #tpu.memory_space<semaphore_mem>>) src(%dma_wait3A_144 : memref<100000x128xf32, #tpu.memory_space<hbm>>) dst(%dma_wait3A_138 : memref<64x128xf32, #tpu.memory_space<vmem>>)
        %dma_wait3A_145 = arith.constant 0 : i32
        %dma_wait3A_146 = tpu.memref_slice %arg10[%add3A_135, %dma_wait3A_145] : memref<40x64xi32, #tpu.memory_space<vmem>> -> memref<1x64xi32, #tpu.memory_space<vmem>>
        %dma_wait3A_147 = tpu.memref_squeeze %dma_wait3A_146 : memref<1x64xi32, #tpu.memory_space<vmem>> -> memref<64xi32, #tpu.memory_space<vmem>>
        %dma_wait3A_148 = arith.constant 0 : i32
        %dma_wait3A_149 = arith.constant 0 : i32
        %dma_wait3A_150 = tpu.memref_slice %arg6[%dma_wait3A_148, %dma_wait3A_149] : memref<100000x128xf32, #tpu.memory_space<hbm>> -> memref<100000x128xf32, #tpu.memory_space<hbm>>
        tpu.wait_indirect_dma semaphore(%arg22 : memref<!tpu.dma_semaphore, #tpu.memory_space<semaphore_mem>>) src(%dma_wait3A_150 : memref<100000x128xf32, #tpu.memory_space<hbm>>) dst(%arg13 : memref<64x128xf32, #tpu.memory_space<vmem>>)
        %dma_wait3A_151 = arith.constant 0 : i32
        %dma_wait3A_152 = tpu.memref_slice %arg11[%add3A_135, %dma_wait3A_151] : memref<40x64xi32, #tpu.memory_space<vmem>> -> memref<1x64xi32, #tpu.memory_space<vmem>>
        %dma_wait3A_153 = tpu.memref_squeeze %dma_wait3A_152 : memref<1x64xi32, #tpu.memory_space<vmem>> -> memref<64xi32, #tpu.memory_space<vmem>>
        %dma_wait3A_154 = arith.constant 0 : i32
        %dma_wait3A_155 = arith.constant 0 : i32
        %dma_wait3A_156 = tpu.memref_slice %arg18[%dma_wait3A_154, %dma_wait3A_155] : memref<1000x128xf32, #tpu.memory_space<vmem_shared>> -> memref<1000x128xf32, #tpu.memory_space<vmem_shared>>
        tpu.wait_indirect_dma semaphore(%arg24 : memref<!tpu.dma_semaphore, #tpu.memory_space<semaphore_mem>>) src(%dma_wait3A_156 : memref<1000x128xf32, #tpu.memory_space<vmem_shared>>) dst(%arg15 : memref<64x128xf32, #tpu.memory_space<vmem>>)
        %scan3A_157 = arith.constant 0 : i32
        %scan3A_158 = arith.constant 0 : i32
        %scan3A_159 = arith.constant 32 : i32
        %scan3A_160 = arith.addi %scan3A_158, %scan3A_159 : i32
        %scan3A_161 = arith.constant 1 : i32
        scf.for %scan3A_173 = %scan3A_158 to %scan3A_160 step %scan3A_161  : i32 {
          %mul3A_174 = arith.constant 2 : i32
          %mul3A_175 = arith.muli %mul3A_174, %scan3A_173 : i32
          %add3A_176 = arith.constant 0 : i32
          %add3A_177 = arith.addi %mul3A_175, %add3A_176 : i32
          %get3A = arith.index_cast %add3A_177 : i32 to index
          %get3A_178 = arith.constant 0 : index
          %get3A_179 = tpu.vector_load %arg13[%get3A, %get3A_178] {strides = array<i32>} : memref<64x128xf32, #tpu.memory_space<vmem>>, vector<1x16xf32>,
          %get3A_180 = vector.shape_cast %get3A_179 : vector<1x16xf32> to vector<16xf32>
          %mul3A_181 = arith.constant 2 : i32
          %mul3A_182 = arith.muli %mul3A_181, %scan3A_173 : i32
          %add3A_183 = arith.constant 0 : i32
          %add3A_184 = arith.addi %mul3A_182, %add3A_183 : i32
          %swap3A = arith.index_cast %add3A_184 : i32 to index
          %swap3A_185 = arith.constant 64 : index
          %swap3A_186 = tpu.vector_load %arg17[%swap3A, %swap3A_185] {strides = array<i32>} : memref<64x192xf32, #tpu.memory_space<vmem>>, vector<1x16xf32>,
          %swap3A_187 = vector.shape_cast %swap3A_186 : vector<1x16xf32> to vector<16xf32>
          %swap3A_188 = vector.shape_cast %get3A_180 : vector<16xf32> to vector<1x16xf32>
          tpu.vector_store %arg17[%swap3A, %swap3A_185], %swap3A_188 {strides = array<i32>} : memref<64x192xf32, #tpu.memory_space<vmem>>, vector<1x16xf32>,
          %mul3A_189 = arith.constant 2 : i32
          %mul3A_190 = arith.muli %mul3A_189, %scan3A_173 : i32
          %add3A_191 = arith.constant 0 : i32
          %add3A_192 = arith.addi %mul3A_190, %add3A_191 : i32
          %get3A_193 = arith.index_cast %add3A_192 : i32 to index
          %get3A_194 = arith.constant 0 : index
          %get3A_195 = tpu.vector_load %arg15[%get3A_193, %get3A_194] {strides = array<i32>} : memref<64x128xf32, #tpu.memory_space<vmem>>, vector<1x16xf32>,
          %get3A_196 = vector.shape_cast %get3A_195 : vector<1x16xf32> to vector<16xf32>
          %mul3A_197 = arith.constant 2 : i32
          %mul3A_198 = arith.muli %mul3A_197, %scan3A_173 : i32
          %add3A_199 = arith.constant 0 : i32
          %add3A_200 = arith.addi %mul3A_198, %add3A_199 : i32
          %swap3A_201 = arith.index_cast %add3A_200 : i32 to index
          %swap3A_202 = arith.constant 128 : index
          %swap3A_203 = tpu.vector_load %arg17[%swap3A_201, %swap3A_202] {strides = array<i32>} : memref<64x192xf32, #tpu.memory_space<vmem>>, vector<1x16xf32>,
          %swap3A_204 = vector.shape_cast %swap3A_203 : vector<1x16xf32> to vector<16xf32>
          %swap3A_205 = vector.shape_cast %get3A_196 : vector<16xf32> to vector<1x16xf32>
          tpu.vector_store %arg17[%swap3A_201, %swap3A_202], %swap3A_205 {strides = array<i32>} : memref<64x192xf32, #tpu.memory_space<vmem>>, vector<1x16xf32>,
          %mul3A_206 = arith.constant 2 : i32
          %mul3A_207 = arith.muli %mul3A_206, %scan3A_173 : i32
          %add3A_208 = arith.constant 0 : i32
          %add3A_209 = arith.addi %mul3A_207, %add3A_208 : i32
          %get3A_210 = arith.index_cast %add3A_209 : i32 to index
          %get3A_211 = arith.constant 16 : index
          %get3A_212 = tpu.vector_load %arg13[%get3A_210, %get3A_211] {strides = array<i32>} : memref<64x128xf32, #tpu.memory_space<vmem>>, vector<1x16xf32>,
          %get3A_213 = vector.shape_cast %get3A_212 : vector<1x16xf32> to vector<16xf32>
          %mul3A_214 = arith.constant 2 : i32
          %mul3A_215 = arith.muli %mul3A_214, %scan3A_173 : i32
          %add3A_216 = arith.constant 0 : i32
          %add3A_217 = arith.addi %mul3A_215, %add3A_216 : i32
          %swap3A_218 = arith.index_cast %add3A_217 : i32 to index
          %swap3A_219 = arith.constant 80 : index
          %swap3A_220 = tpu.vector_load %arg17[%swap3A_218, %swap3A_219] {strides = array<i32>} : memref<64x192xf32, #tpu.memory_space<vmem>>, vector<1x16xf32>,
          %swap3A_221 = vector.shape_cast %swap3A_220 : vector<1x16xf32> to vector<16xf32>
          %swap3A_222 = vector.shape_cast %get3A_213 : vector<16xf32> to vector<1x16xf32>
          tpu.vector_store %arg17[%swap3A_218, %swap3A_219], %swap3A_222 {strides = array<i32>} : memref<64x192xf32, #tpu.memory_space<vmem>>, vector<1x16xf32>,
          %mul3A_223 = arith.constant 2 : i32
          %mul3A_224 = arith.muli %mul3A_223, %scan3A_173 : i32
          %add3A_225 = arith.constant 0 : i32
          %add3A_226 = arith.addi %mul3A_224, %add3A_225 : i32
          %get3A_227 = arith.index_cast %add3A_226 : i32 to index
          %get3A_228 = arith.constant 16 : index
          %get3A_229 = tpu.vector_load %arg15[%get3A_227, %get3A_228] {strides = array<i32>} : memref<64x128xf32, #tpu.memory_space<vmem>>, vector<1x16xf32>,
          %get3A_230 = vector.shape_cast %get3A_229 : vector<1x16xf32> to vector<16xf32>
          %mul3A_231 = arith.constant 2 : i32
          %mul3A_232 = arith.muli %mul3A_231, %scan3A_173 : i32
          %add3A_233 = arith.constant 0 : i32
          %add3A_234 = arith.addi %mul3A_232, %add3A_233 : i32
          %swap3A_235 = arith.index_cast %add3A_234 : i32 to index
          %swap3A_236 = arith.constant 144 : index
          %swap3A_237 = tpu.vector_load %arg17[%swap3A_235, %swap3A_236] {strides = array<i32>} : memref<64x192xf32, #tpu.memory_space<vmem>>, vector<1x16xf32>,
          %swap3A_238 = vector.shape_cast %swap3A_237 : vector<1x16xf32> to vector<16xf32>
          %swap3A_239 = vector.shape_cast %get3A_230 : vector<16xf32> to vector<1x16xf32>
          tpu.vector_store %arg17[%swap3A_235, %swap3A_236], %swap3A_239 {strides = array<i32>} : memref<64x192xf32, #tpu.memory_space<vmem>>, vector<1x16xf32>,
          %mul3A_240 = arith.constant 2 : i32
          %mul3A_241 = arith.muli %mul3A_240, %scan3A_173 : i32
          %add3A_242 = arith.constant 0 : i32
          %add3A_243 = arith.addi %mul3A_241, %add3A_242 : i32
          %get3A_244 = arith.index_cast %add3A_243 : i32 to index
          %get3A_245 = arith.constant 32 : index
          %get3A_246 = tpu.vector_load %arg13[%get3A_244, %get3A_245] {strides = array<i32>} : memref<64x128xf32, #tpu.memory_space<vmem>>, vector<1x16xf32>,
          %get3A_247 = vector.shape_cast %get3A_246 : vector<1x16xf32> to vector<16xf32>
          %mul3A_248 = arith.constant 2 : i32
          %mul3A_249 = arith.muli %mul3A_248, %scan3A_173 : i32
          %add3A_250 = arith.constant 0 : i32
          %add3A_251 = arith.addi %mul3A_249, %add3A_250 : i32
          %swap3A_252 = arith.index_cast %add3A_251 : i32 to index
          %swap3A_253 = arith.constant 96 : index
          %swap3A_254 = tpu.vector_load %arg17[%swap3A_252, %swap3A_253] {strides = array<i32>} : memref<64x192xf32, #tpu.memory_space<vmem>>, vector<1x16xf32>,
          %swap3A_255 = vector.shape_cast %swap3A_254 : vector<1x16xf32> to vector<16xf32>
          %swap3A_256 = vector.shape_cast %get3A_247 : vector<16xf32> to vector<1x16xf32>
          tpu.vector_store %arg17[%swap3A_252, %swap3A_253], %swap3A_256 {strides = array<i32>} : memref<64x192xf32, #tpu.memory_space<vmem>>, vector<1x16xf32>,
          %mul3A_257 = arith.constant 2 : i32
          %mul3A_258 = arith.muli %mul3A_257, %scan3A_173 : i32
          %add3A_259 = arith.constant 0 : i32
          %add3A_260 = arith.addi %mul3A_258, %add3A_259 : i32
          %get3A_261 = arith.index_cast %add3A_260 : i32 to index
          %get3A_262 = arith.constant 32 : index
          %get3A_263 = tpu.vector_load %arg15[%get3A_261, %get3A_262] {strides = array<i32>} : memref<64x128xf32, #tpu.memory_space<vmem>>, vector<1x16xf32>,
          %get3A_264 = vector.shape_cast %get3A_263 : vector<1x16xf32> to vector<16xf32>
          %mul3A_265 = arith.constant 2 : i32
          %mul3A_266 = arith.muli %mul3A_265, %scan3A_173 : i32
          %add3A_267 = arith.constant 0 : i32
          %add3A_268 = arith.addi %mul3A_266, %add3A_267 : i32
          %swap3A_269 = arith.index_cast %add3A_268 : i32 to index
          %swap3A_270 = arith.constant 160 : index
          %swap3A_271 = tpu.vector_load %arg17[%swap3A_269, %swap3A_270] {strides = array<i32>} : memref<64x192xf32, #tpu.memory_space<vmem>>, vector<1x16xf32>,
          %swap3A_272 = vector.shape_cast %swap3A_271 : vector<1x16xf32> to vector<16xf32>
          %swap3A_273 = vector.shape_cast %get3A_264 : vector<16xf32> to vector<1x16xf32>
          tpu.vector_store %arg17[%swap3A_269, %swap3A_270], %swap3A_273 {strides = array<i32>} : memref<64x192xf32, #tpu.memory_space<vmem>>, vector<1x16xf32>,
          %mul3A_274 = arith.constant 2 : i32
          %mul3A_275 = arith.muli %mul3A_274, %scan3A_173 : i32
          %add3A_276 = arith.constant 0 : i32
          %add3A_277 = arith.addi %mul3A_275, %add3A_276 : i32
          %get3A_278 = arith.index_cast %add3A_277 : i32 to index
          %get3A_279 = arith.constant 48 : index
          %get3A_280 = tpu.vector_load %arg13[%get3A_278, %get3A_279] {strides = array<i32>} : memref<64x128xf32, #tpu.memory_space<vmem>>, vector<1x16xf32>,
          %get3A_281 = vector.shape_cast %get3A_280 : vector<1x16xf32> to vector<16xf32>
          %mul3A_282 = arith.constant 2 : i32
          %mul3A_283 = arith.muli %mul3A_282, %scan3A_173 : i32
          %add3A_284 = arith.constant 0 : i32
          %add3A_285 = arith.addi %mul3A_283, %add3A_284 : i32
          %swap3A_286 = arith.index_cast %add3A_285 : i32 to index
          %swap3A_287 = arith.constant 112 : index
          %swap3A_288 = tpu.vector_load %arg17[%swap3A_286, %swap3A_287] {strides = array<i32>} : memref<64x192xf32, #tpu.memory_space<vmem>>, vector<1x16xf32>,
          %swap3A_289 = vector.shape_cast %swap3A_288 : vector<1x16xf32> to vector<16xf32>
          %swap3A_290 = vector.shape_cast %get3A_281 : vector<16xf32> to vector<1x16xf32>
          tpu.vector_store %arg17[%swap3A_286, %swap3A_287], %swap3A_290 {strides = array<i32>} : memref<64x192xf32, #tpu.memory_space<vmem>>, vector<1x16xf32>,
          %mul3A_291 = arith.constant 2 : i32
          %mul3A_292 = arith.muli %mul3A_291, %scan3A_173 : i32
          %add3A_293 = arith.constant 0 : i32
          %add3A_294 = arith.addi %mul3A_292, %add3A_293 : i32
          %get3A_295 = arith.index_cast %add3A_294 : i32 to index
          %get3A_296 = arith.constant 48 : index
          %get3A_297 = tpu.vector_load %arg15[%get3A_295, %get3A_296] {strides = array<i32>} : memref<64x128xf32, #tpu.memory_space<vmem>>, vector<1x16xf32>,
          %get3A_298 = vector.shape_cast %get3A_297 : vector<1x16xf32> to vector<16xf32>
          %mul3A_299 = arith.constant 2 : i32
          %mul3A_300 = arith.muli %mul3A_299, %scan3A_173 : i32
          %add3A_301 = arith.constant 0 : i32
          %add3A_302 = arith.addi %mul3A_300, %add3A_301 : i32
          %swap3A_303 = arith.index_cast %add3A_302 : i32 to index
          %swap3A_304 = arith.constant 176 : index
          %swap3A_305 = tpu.vector_load %arg17[%swap3A_303, %swap3A_304] {strides = array<i32>} : memref<64x192xf32, #tpu.memory_space<vmem>>, vector<1x16xf32>,
          %swap3A_306 = vector.shape_cast %swap3A_305 : vector<1x16xf32> to vector<16xf32>
          %swap3A_307 = vector.shape_cast %get3A_298 : vector<16xf32> to vector<1x16xf32>
          tpu.vector_store %arg17[%swap3A_303, %swap3A_304], %swap3A_307 {strides = array<i32>} : memref<64x192xf32, #tpu.memory_space<vmem>>, vector<1x16xf32>,
          %mul3A_308 = arith.constant 2 : i32
          %mul3A_309 = arith.muli %mul3A_308, %scan3A_173 : i32
          %add3A_310 = arith.constant 1 : i32
          %add3A_311 = arith.addi %mul3A_309, %add3A_310 : i32
          %get3A_312 = arith.index_cast %add3A_311 : i32 to index
          %get3A_313 = arith.constant 0 : index
          %get3A_314 = tpu.vector_load %arg13[%get3A_312, %get3A_313] {strides = array<i32>} : memref<64x128xf32, #tpu.memory_space<vmem>>, vector<1x16xf32>,
          %get3A_315 = vector.shape_cast %get3A_314 : vector<1x16xf32> to vector<16xf32>
          %mul3A_316 = arith.constant 2 : i32
          %mul3A_317 = arith.muli %mul3A_316, %scan3A_173 : i32
          %add3A_318 = arith.constant 1 : i32
          %add3A_319 = arith.addi %mul3A_317, %add3A_318 : i32
          %swap3A_320 = arith.index_cast %add3A_319 : i32 to index
          %swap3A_321 = arith.constant 64 : index
          %swap3A_322 = tpu.vector_load %arg17[%swap3A_320, %swap3A_321] {strides = array<i32>} : memref<64x192xf32, #tpu.memory_space<vmem>>, vector<1x16xf32>,
          %swap3A_323 = vector.shape_cast %swap3A_322 : vector<1x16xf32> to vector<16xf32>
          %swap3A_324 = vector.shape_cast %get3A_315 : vector<16xf32> to vector<1x16xf32>
          tpu.vector_store %arg17[%swap3A_320, %swap3A_321], %swap3A_324 {strides = array<i32>} : memref<64x192xf32, #tpu.memory_space<vmem>>, vector<1x16xf32>,
          %mul3A_325 = arith.constant 2 : i32
          %mul3A_326 = arith.muli %mul3A_325, %scan3A_173 : i32
          %add3A_327 = arith.constant 1 : i32
          %add3A_328 = arith.addi %mul3A_326, %add3A_327 : i32
          %get3A_329 = arith.index_cast %add3A_328 : i32 to index
          %get3A_330 = arith.constant 0 : index
          %get3A_331 = tpu.vector_load %arg15[%get3A_329, %get3A_330] {strides = array<i32>} : memref<64x128xf32, #tpu.memory_space<vmem>>, vector<1x16xf32>,
          %get3A_332 = vector.shape_cast %get3A_331 : vector<1x16xf32> to vector<16xf32>
          %mul3A_333 = arith.constant 2 : i32
          %mul3A_334 = arith.muli %mul3A_333, %scan3A_173 : i32
          %add3A_335 = arith.constant 1 : i32
          %add3A_336 = arith.addi %mul3A_334, %add3A_335 : i32
          %swap3A_337 = arith.index_cast %add3A_336 : i32 to index
          %swap3A_338 = arith.constant 128 : index
          %swap3A_339 = tpu.vector_load %arg17[%swap3A_337, %swap3A_338] {strides = array<i32>} : memref<64x192xf32, #tpu.memory_space<vmem>>, vector<1x16xf32>,
          %swap3A_340 = vector.shape_cast %swap3A_339 : vector<1x16xf32> to vector<16xf32>
          %swap3A_341 = vector.shape_cast %get3A_332 : vector<16xf32> to vector<1x16xf32>
          tpu.vector_store %arg17[%swap3A_337, %swap3A_338], %swap3A_341 {strides = array<i32>} : memref<64x192xf32, #tpu.memory_space<vmem>>, vector<1x16xf32>,
          %mul3A_342 = arith.constant 2 : i32
          %mul3A_343 = arith.muli %mul3A_342, %scan3A_173 : i32
          %add3A_344 = arith.constant 1 : i32
          %add3A_345 = arith.addi %mul3A_343, %add3A_344 : i32
          %get3A_346 = arith.index_cast %add3A_345 : i32 to index
          %get3A_347 = arith.constant 16 : index
          %get3A_348 = tpu.vector_load %arg13[%get3A_346, %get3A_347] {strides = array<i32>} : memref<64x128xf32, #tpu.memory_space<vmem>>, vector<1x16xf32>,
          %get3A_349 = vector.shape_cast %get3A_348 : vector<1x16xf32> to vector<16xf32>
          %mul3A_350 = arith.constant 2 : i32
          %mul3A_351 = arith.muli %mul3A_350, %scan3A_173 : i32
          %add3A_352 = arith.constant 1 : i32
          %add3A_353 = arith.addi %mul3A_351, %add3A_352 : i32
          %swap3A_354 = arith.index_cast %add3A_353 : i32 to index
          %swap3A_355 = arith.constant 80 : index
          %swap3A_356 = tpu.vector_load %arg17[%swap3A_354, %swap3A_355] {strides = array<i32>} : memref<64x192xf32, #tpu.memory_space<vmem>>, vector<1x16xf32>,
          %swap3A_357 = vector.shape_cast %swap3A_356 : vector<1x16xf32> to vector<16xf32>
          %swap3A_358 = vector.shape_cast %get3A_349 : vector<16xf32> to vector<1x16xf32>
          tpu.vector_store %arg17[%swap3A_354, %swap3A_355], %swap3A_358 {strides = array<i32>} : memref<64x192xf32, #tpu.memory_space<vmem>>, vector<1x16xf32>,
          %mul3A_359 = arith.constant 2 : i32
          %mul3A_360 = arith.muli %mul3A_359, %scan3A_173 : i32
          %add3A_361 = arith.constant 1 : i32
          %add3A_362 = arith.addi %mul3A_360, %add3A_361 : i32
          %get3A_363 = arith.index_cast %add3A_362 : i32 to index
          %get3A_364 = arith.constant 16 : index
          %get3A_365 = tpu.vector_load %arg15[%get3A_363, %get3A_364] {strides = array<i32>} : memref<64x128xf32, #tpu.memory_space<vmem>>, vector<1x16xf32>,
          %get3A_366 = vector.shape_cast %get3A_365 : vector<1x16xf32> to vector<16xf32>
          %mul3A_367 = arith.constant 2 : i32
          %mul3A_368 = arith.muli %mul3A_367, %scan3A_173 : i32
          %add3A_369 = arith.constant 1 : i32
          %add3A_370 = arith.addi %mul3A_368, %add3A_369 : i32
          %swap3A_371 = arith.index_cast %add3A_370 : i32 to index
          %swap3A_372 = arith.constant 144 : index
          %swap3A_373 = tpu.vector_load %arg17[%swap3A_371, %swap3A_372] {strides = array<i32>} : memref<64x192xf32, #tpu.memory_space<vmem>>, vector<1x16xf32>,
          %swap3A_374 = vector.shape_cast %swap3A_373 : vector<1x16xf32> to vector<16xf32>
          %swap3A_375 = vector.shape_cast %get3A_366 : vector<16xf32> to vector<1x16xf32>
          tpu.vector_store %arg17[%swap3A_371, %swap3A_372], %swap3A_375 {strides = array<i32>} : memref<64x192xf32, #tpu.memory_space<vmem>>, vector<1x16xf32>,
          %mul3A_376 = arith.constant 2 : i32
          %mul3A_377 = arith.muli %mul3A_376, %scan3A_173 : i32
          %add3A_378 = arith.constant 1 : i32
          %add3A_379 = arith.addi %mul3A_377, %add3A_378 : i32
          %get3A_380 = arith.index_cast %add3A_379 : i32 to index
          %get3A_381 = arith.constant 32 : index
          %get3A_382 = tpu.vector_load %arg13[%get3A_380, %get3A_381] {strides = array<i32>} : memref<64x128xf32, #tpu.memory_space<vmem>>, vector<1x16xf32>,
          %get3A_383 = vector.shape_cast %get3A_382 : vector<1x16xf32> to vector<16xf32>
          %mul3A_384 = arith.constant 2 : i32
          %mul3A_385 = arith.muli %mul3A_384, %scan3A_173 : i32
          %add3A_386 = arith.constant 1 : i32
          %add3A_387 = arith.addi %mul3A_385, %add3A_386 : i32
          %swap3A_388 = arith.index_cast %add3A_387 : i32 to index
          %swap3A_389 = arith.constant 96 : index
          %swap3A_390 = tpu.vector_load %arg17[%swap3A_388, %swap3A_389] {strides = array<i32>} : memref<64x192xf32, #tpu.memory_space<vmem>>, vector<1x16xf32>,
          %swap3A_391 = vector.shape_cast %swap3A_390 : vector<1x16xf32> to vector<16xf32>
          %swap3A_392 = vector.shape_cast %get3A_383 : vector<16xf32> to vector<1x16xf32>
          tpu.vector_store %arg17[%swap3A_388, %swap3A_389], %swap3A_392 {strides = array<i32>} : memref<64x192xf32, #tpu.memory_space<vmem>>, vector<1x16xf32>,
          %mul3A_393 = arith.constant 2 : i32
          %mul3A_394 = arith.muli %mul3A_393, %scan3A_173 : i32
          %add3A_395 = arith.constant 1 : i32
          %add3A_396 = arith.addi %mul3A_394, %add3A_395 : i32
          %get3A_397 = arith.index_cast %add3A_396 : i32 to index
          %get3A_398 = arith.constant 32 : index
          %get3A_399 = tpu.vector_load %arg15[%get3A_397, %get3A_398] {strides = array<i32>} : memref<64x128xf32, #tpu.memory_space<vmem>>, vector<1x16xf32>,
          %get3A_400 = vector.shape_cast %get3A_399 : vector<1x16xf32> to vector<16xf32>
          %mul3A_401 = arith.constant 2 : i32
          %mul3A_402 = arith.muli %mul3A_401, %scan3A_173 : i32
          %add3A_403 = arith.constant 1 : i32
          %add3A_404 = arith.addi %mul3A_402, %add3A_403 : i32
          %swap3A_405 = arith.index_cast %add3A_404 : i32 to index
          %swap3A_406 = arith.constant 160 : index
          %swap3A_407 = tpu.vector_load %arg17[%swap3A_405, %swap3A_406] {strides = array<i32>} : memref<64x192xf32, #tpu.memory_space<vmem>>, vector<1x16xf32>,
          %swap3A_408 = vector.shape_cast %swap3A_407 : vector<1x16xf32> to vector<16xf32>
          %swap3A_409 = vector.shape_cast %get3A_400 : vector<16xf32> to vector<1x16xf32>
          tpu.vector_store %arg17[%swap3A_405, %swap3A_406], %swap3A_409 {strides = array<i32>} : memref<64x192xf32, #tpu.memory_space<vmem>>, vector<1x16xf32>,
          %mul3A_410 = arith.constant 2 : i32
          %mul3A_411 = arith.muli %mul3A_410, %scan3A_173 : i32
          %add3A_412 = arith.constant 1 : i32
          %add3A_413 = arith.addi %mul3A_411, %add3A_412 : i32
          %get3A_414 = arith.index_cast %add3A_413 : i32 to index
          %get3A_415 = arith.constant 48 : index
          %get3A_416 = tpu.vector_load %arg13[%get3A_414, %get3A_415] {strides = array<i32>} : memref<64x128xf32, #tpu.memory_space<vmem>>, vector<1x16xf32>,
          %get3A_417 = vector.shape_cast %get3A_416 : vector<1x16xf32> to vector<16xf32>
          %mul3A_418 = arith.constant 2 : i32
          %mul3A_419 = arith.muli %mul3A_418, %scan3A_173 : i32
          %add3A_420 = arith.constant 1 : i32
          %add3A_421 = arith.addi %mul3A_419, %add3A_420 : i32
          %swap3A_422 = arith.index_cast %add3A_421 : i32 to index
          %swap3A_423 = arith.constant 112 : index
          %swap3A_424 = tpu.vector_load %arg17[%swap3A_422, %swap3A_423] {strides = array<i32>} : memref<64x192xf32, #tpu.memory_space<vmem>>, vector<1x16xf32>,
          %swap3A_425 = vector.shape_cast %swap3A_424 : vector<1x16xf32> to vector<16xf32>
          %swap3A_426 = vector.shape_cast %get3A_417 : vector<16xf32> to vector<1x16xf32>
          tpu.vector_store %arg17[%swap3A_422, %swap3A_423], %swap3A_426 {strides = array<i32>} : memref<64x192xf32, #tpu.memory_space<vmem>>, vector<1x16xf32>,
          %mul3A_427 = arith.constant 2 : i32
          %mul3A_428 = arith.muli %mul3A_427, %scan3A_173 : i32
          %add3A_429 = arith.constant 1 : i32
          %add3A_430 = arith.addi %mul3A_428, %add3A_429 : i32
          %get3A_431 = arith.index_cast %add3A_430 : i32 to index
          %get3A_432 = arith.constant 48 : index
          %get3A_433 = tpu.vector_load %arg15[%get3A_431, %get3A_432] {strides = array<i32>} : memref<64x128xf32, #tpu.memory_space<vmem>>, vector<1x16xf32>,
          %get3A_434 = vector.shape_cast %get3A_433 : vector<1x16xf32> to vector<16xf32>
          %mul3A_435 = arith.constant 2 : i32
          %mul3A_436 = arith.muli %mul3A_435, %scan3A_173 : i32
          %add3A_437 = arith.constant 1 : i32
          %add3A_438 = arith.addi %mul3A_436, %add3A_437 : i32
          %swap3A_439 = arith.index_cast %add3A_438 : i32 to index
          %swap3A_440 = arith.constant 176 : index
          %swap3A_441 = tpu.vector_load %arg17[%swap3A_439, %swap3A_440] {strides = array<i32>} : memref<64x192xf32, #tpu.memory_space<vmem>>, vector<1x16xf32>,
          %swap3A_442 = vector.shape_cast %swap3A_441 : vector<1x16xf32> to vector<16xf32>
          %swap3A_443 = vector.shape_cast %get3A_434 : vector<16xf32> to vector<1x16xf32>
          tpu.vector_store %arg17[%swap3A_439, %swap3A_440], %swap3A_443 {strides = array<i32>} : memref<64x192xf32, #tpu.memory_space<vmem>>, vector<1x16xf32>,
        }
        %scan3A_162 = arith.constant 32 : i32
        %mul3A_163 = arith.constant 40 : i32
        %mul3A_164 = arith.muli %scan3A_21, %mul3A_163 : i32
        %add3A_165 = arith.addi %mul3A_2, %mul3A_164 : i32
        %add3A_166 = arith.addi %add3A_165, %add3A_135 : i32
        %mul3A_167 = arith.constant 64 : i32
        %mul3A_168 = arith.muli %add3A_166, %mul3A_167 : i32
        %dma_start3A_169 = arith.constant 0 : i32
        %dma_start3A_170 = tpu.memref_slice %arg8[%mul3A_168, %dma_start3A_169] : memref<819200x192xf32, #tpu.memory_space<hbm>> -> memref<64x192xf32, #tpu.memory_space<hbm>>
        %dma_start3A_171 = arith.constant 0 : i32
        %dma_start3A_172 = tpu.memref_slice %arg8[%mul3A_168, %dma_start3A_171] : memref<819200x192xf32, #tpu.memory_space<hbm>> -> memref<64x192xf32, #tpu.memory_space<hbm>>
        tpu.enqueue_dma source(%arg17 : memref<64x192xf32, #tpu.memory_space<vmem>>) target(%dma_start3A_172 : memref<64x192xf32, #tpu.memory_space<hbm>>) target_semaphore(%arg26 : memref<!tpu.dma_semaphore, #tpu.memory_space<semaphore_mem>>)
      }
      %scan3A_58 = arith.constant 20 : i32
    }
    %scan3A_9 = arith.constant 10 : i32
    %dma_wait3A = arith.constant 0 : i32
    %dma_wait3A_10 = arith.constant 0 : i32
    %dma_wait3A_11 = tpu.memref_slice %arg8[%dma_wait3A, %dma_wait3A_10] : memref<819200x192xf32, #tpu.memory_space<hbm>> -> memref<64x192xf32, #tpu.memory_space<hbm>>
    %dma_wait3A_12 = arith.constant 0 : i32
    %dma_wait3A_13 = arith.constant 0 : i32
    %dma_wait3A_14 = tpu.memref_slice %arg8[%dma_wait3A_12, %dma_wait3A_13] : memref<819200x192xf32, #tpu.memory_space<hbm>> -> memref<64x192xf32, #tpu.memory_space<hbm>>
    tpu.wait_dma2 semaphore(%arg25 : memref<!tpu.dma_semaphore, #tpu.memory_space<semaphore_mem>>) src(%arg16 : memref<64x192xf32, #tpu.memory_space<vmem>>) dst(%dma_wait3A_14 : memref<64x192xf32, #tpu.memory_space<hbm>>)
    %dma_wait3A_15 = arith.constant 0 : i32
    %dma_wait3A_16 = arith.constant 0 : i32
    %dma_wait3A_17 = tpu.memref_slice %arg8[%dma_wait3A_15, %dma_wait3A_16] : memref<819200x192xf32, #tpu.memory_space<hbm>> -> memref<64x192xf32, #tpu.memory_space<hbm>>
    %dma_wait3A_18 = arith.constant 0 : i32
    %dma_wait3A_19 = arith.constant 0 : i32
    %dma_wait3A_20 = tpu.memref_slice %arg8[%dma_wait3A_18, %dma_wait3A_19] : memref<819200x192xf32, #tpu.memory_space<hbm>> -> memref<64x192xf32, #tpu.memory_space<hbm>>
    tpu.wait_dma2 semaphore(%arg26 : memref<!tpu.dma_semaphore, #tpu.memory_space<semaphore_mem>>) src(%arg17 : memref<64x192xf32, #tpu.memory_space<vmem>>) dst(%dma_wait3A_20 : memref<64x192xf32, #tpu.memory_space<hbm>>)
    return
  }
}

</mosaic_0001>

<sc_bundles>
// kernel: kernel.3.cloned.1.call-start
scs
__scs_entry_jumppad:
0x0: {  	(pc) =	sbr.rel $0x88, $3  }
0x1: {  	(tag) =	ssettag $0x0;
	lr =	simm.s32 $0x1  }
0x2: {  	[smem:$0x3F9B] =	sst lr;
	_ =	strace $0xD0000000  }
0x3: {  	_ = 	snop  }
0x4: {  	_ = 	snop  }
0x5: {  	_ = 	snop  }
0x6: {  	_ = 	snop  }
0x7: {  	_ = 	snop  }
__scs_overlays_trampoline_lowered:
0x8: {  	[smem:$0x3FAA] =	sst s0  }
0x9: {  	[smem:$0x3FAB] =	sst s1  }
0xa: {  	[smem:$0x3FAC] =	sst s2  }
0xb: {  	[smem:$0x3FAD] =	sst s3  }
0xc: {  	[smem:$0x3FAE] =	sst s4  }
0xd: {  	[smem:$0x3FAF] =	sst s5  }
0xe: {  	[smem:$0x3FB0] =	sst s6  }
0xf: {  	[smem:$0x3FB1] =	sst s7  }
0x10: {  	[smem:$0x3FB2] =	sst s8  }
0x11: {  	[smem:$0x3FB3] =	sst s9;
	s0 =	simm.s32 @!p0 $0x0  }
0x12: {  	s1 =	sld [smem:$0x3F99];
	s0 =	simm.s32 @p0 $0x1  }
0x13: {  	[smem:$0x3FB4] =	sst s0;
	s0 =	simm.s32 @!p1 $0x0  }
0x14: {  	s2 =	sld [smem:$0x3F98];
	s0 =	simm.s32 @p1 $0x1  }
0x15: {  	[smem:$0x3FB5] =	sst s0;
	s0 =	simm.s32 @!p2 $0x0  }
0x16: {  	s3 =	sld [smem:$0x3FDB];
	s0 =	simm.s32 @p2 $0x1  }
0x17: {  	s4 =	simm.s32 $0x1BF5;
	[smem:$0x3FB7] =	sst s0  }
0x18: {  	s0 =	sld [smem:$0x3F9A];
	_ =	swait.ge [sflag:s4], $0x0  }
0x19: {  	s7 =	sld [smem:$0x3F9B]  }
0x1a: {  	s8 =	sadd.s32 $0xFFFFE003, lr  }
0x1b: {  	s9 =	sadd.s32 $0xFFFFFEF7, lr;
	s5 =	simm.s32 $0xFFFFFFFF;
	p2 =	slt.u32 s8, $0xFFFFF086  }
0x1c: {  	p1 =	slt.u32 s9, $0xF7A;
	s5 =	simm.s32 @!p2 $0x0  }
0x1d: {  	s5 =	simm.s32 @p1 $0x1;
	p0 =	seq.s32 s7, s2  }
0x1e: {  	s7 =	smul.u32 @!p0 $0xF7A, s2;
	p2 =	seq.s32 @!p0 s5, $0x0  }
0x1f: {  	s9 =	smul.u32 $0xF7A, s1;
	s8 =	simm.s32 @!p0 $0x1BF5;
	p2 =	por !p2, p0  }
0x20: {  	[sflag:s8] =	ssyncset.s32 @!p0 $0xFFFFF086;
	s6 =	sadd.s32 @!p0 s3, s7;
	s7 =	simm.s32 @!p0 $0x108  }
0x21: {  	s3 =	sadd.s32 s3, s9;
	s6 =	sadd.s32 @!p0 $0x88, s6;
	s7 =	simm.s32 @p2 $0x1082  }
0x22: {  	[simem:s7], [sflag:s8] =	dma.local @!p0 [hbm:s6], $0xF7A  }
0x23: {  	s9 =	sor.u32 $0xD0000000, s2;
	s6 =	simm.s32 $0x108;
	_ =	swait.ge @!p0 [sflag:s8], $0x0  }
0x24: {  	s3 =	sadd.s32 $0x88, s3;
	s6 =	simm.s32 @!p1 $0x1082;
	[sflag:s4] =	ssyncset.s32 $0xFFFFF086  }
0x25: {  	[simem:s6], [sflag:s4] =	dma.local [hbm:s3], $0xF7A  }
0x26: {  	[smem:$0x3F9B] =	sst s1;
	(tag) =	ssettag s2;
	_ =	strace s9  }
0x27: {  	s1 =	sld [smem:$0x3FAB]  }
0x28: {  	s2 =	sld [smem:$0x3FAC]  }
0x29: {  	s4 =	sld [smem:$0x3FAE]  }
0x2a: {  	p0 =	seq.s32 s5, $0x0;
	s5 =	sld [smem:$0x3FAF]  }
0x2b: {  	s6 =	sld [smem:$0x3FB0]  }
0x2c: {  	s7 =	sld [smem:$0x3FB1]  }
0x2d: {  	s3 =	simm.s32 $0x108;
	s8 =	sld [smem:$0x3FB2]  }
0x2e: {  	s3 =	simm.s32 @!p0 $0x1082;
	s9 =	sld [smem:$0x3FB3]  }
0x2f: {  	lr =	sadd.s32 s0, s3;
	s0 =	sld [smem:$0x3FAA]  }
0x30: {  	s3 =	sld [smem:$0x3FAD]  }
0x31: {  	[smem:$0x3FB6] =	sst s10  }
0x32: {  	s10 =	sld [smem:$0x3FB4];
	_ =	sdelay $0x3  }
0x33: {  	p0 =	seq.s32 s10, $0x1;
	s10 =	sld [smem:$0x3FB6];
	_ =	sdelay $0x3  }
0x34: {  	[smem:$0x3FB6] =	sst s10  }
0x35: {  	s10 =	sld [smem:$0x3FB5];
	_ =	sdelay $0x3  }
0x36: {  	p1 =	seq.s32 s10, $0x1;
	s10 =	sld [smem:$0x3FB6];
	_ =	sdelay $0x3  }
0x37: {  	[smem:$0x3FB6] =	sst s10  }
0x38: {  	s10 =	sld [smem:$0x3FB7]  }
0x39: {  	_ = 	snop;
	(pc) =	sbr.ind lr, $3  }
0x3a: {  	_ = 	snop  }
0x3b: {  	_ = 	snop  }
0x3c: {  	p2 =	seq.s32 s10, $0x1;
	s10 =	sld [smem:$0x3FB6]  }
0x3d: {  	_ =	shalt  }
0x3e: {  	_ =	shalt  }
0x3f: {  	_ =	shalt  }
0x40: {  	_ =	shalt  }
0x41: {  	_ =	shalt  }
0x42: {  	_ =	shalt  }
0x43: {  	_ =	shalt  }
0x44: {  	_ =	shalt  }
0x45: {  	_ =	shalt  }
0x46: {  	_ =	shalt  }
0x47: {  	_ =	shalt  }
0x48: {  	_ =	shalt  }
0x49: {  	_ =	shalt  }
0x4a: {  	_ =	shalt  }
0x4b: {  	_ =	shalt  }
0x4c: {  	_ =	shalt  }
0x4d: {  	_ =	shalt  }
0x4e: {  	_ =	shalt  }
0x4f: {  	_ =	shalt  }
0x50: {  	_ =	shalt  }
0x51: {  	_ =	shalt  }
0x52: {  	_ =	shalt  }
0x53: {  	_ =	shalt  }
0x54: {  	_ =	shalt  }
0x55: {  	_ =	shalt  }
0x56: {  	_ =	shalt  }
0x57: {  	_ =	shalt  }
0x58: {  	_ =	shalt  }
0x59: {  	_ =	shalt  }
0x5a: {  	_ =	shalt  }
0x5b: {  	_ =	shalt  }
0x5c: {  	_ =	shalt  }
0x5d: {  	_ =	shalt  }
0x5e: {  	_ =	shalt  }
0x5f: {  	_ =	shalt  }
0x60: {  	_ =	shalt  }
0x61: {  	_ =	shalt  }
0x62: {  	_ =	shalt  }
0x63: {  	_ =	shalt  }
0x64: {  	_ =	shalt  }
0x65: {  	_ =	shalt  }
0x66: {  	_ =	shalt  }
0x67: {  	_ =	shalt  }
0x68: {  	_ =	shalt  }
0x69: {  	_ =	shalt  }
0x6a: {  	_ =	shalt  }
0x6b: {  	_ =	shalt  }
0x6c: {  	_ =	shalt  }
0x6d: {  	_ =	shalt  }
0x6e: {  	_ =	shalt  }
0x6f: {  	_ =	shalt  }
0x70: {  	_ =	shalt  }
0x71: {  	_ =	shalt  }
0x72: {  	_ =	shalt  }
0x73: {  	_ =	shalt  }
0x74: {  	_ =	shalt  }
0x75: {  	_ =	shalt  }
0x76: {  	_ =	shalt  }
0x77: {  	_ =	shalt  }
0x78: {  	_ =	shalt  }
0x79: {  	_ =	shalt  }
0x7a: {  	_ =	shalt  }
0x7b: {  	_ =	shalt  }
0x7c: {  	_ =	shalt  }
0x7d: {  	_ =	shalt  }
0x7e: {  	_ =	shalt  }
0x7f: {  	_ =	shalt  }
0x80: {  	_ =	shalt  }
0x81: {  	_ =	shalt  }
0x82: {  	_ =	shalt  }
0x83: {  	_ =	shalt  }
0x84: {  	_ =	shalt  }
0x85: {  	_ =	shalt  }
0x86: {  	_ =	shalt  }
0x87: {  	_ =	shalt  }
.Lfunc_end0:
.L_simem_size_0:
called_computation.1_lowered:
.L_overlay_start_0:
0x88: {  	s2 =	sld [smem:$0x3FD9]  }
0x89: {  	s3 =	sld [smem:$0x3FFE];
	_ =	sdelay $0x1  }
0x8a: {  	s1 =	srdreg.scid  }
0x8b: {  	s0 =	sand.u32 $0x1, s1  }
0x8c: {  	s16 =	sshll.u32 s0, $0xA;
	s2 =	sadd.s32 s3, s2  }
0x8d: {  	s2 =	sadd.s32 s2, s16  }
0x8e: {  	[smem:$0x3FC2] =	sst s2  }
0x8f: {  	_ = 	snop  }
0x90: {  	(tm) =	ssettm $0x1  }
0x91: {  	s17 =	sld [smem:$0x3FFB];
	_ =	sdelay $0x3  }
0x92: {  	_ =	strace s17  }
0x93: {  	s2 =	sld [smem:$0x3FFC];
	_ =	sdelay $0x3  }
0x94: {  	_ =	strace s2  }
0x95: {  	s2 =	sld [smem:$0x3FFD];
	_ =	sdelay $0x3  }
0x96: {  	_ =	strace s2  }
0x97: {  	_ =	strace $0x8FFFFFFF  }
0x98: {  	s18 =	sld [smem:$0x3FDB];
	_ =	sdelay $0x1  }
0x99: {  	s19 =	simm.s32 $_scs_section_size  }
0x9a: {  	s4 =	simm.s32 $_size__tile_overlayer_lowered;
	s5 =	simm.s32 $_tile_overlayer_lowered  }
0x9b: {  	s22 =	simm.s32 $0x1BFF;
	s21 =	sshll.u32 s5, $0x1;
	s2 =	sadd.s32 s19, s18  }
0x9c: {  	s6 =	simm.s32 $0x0;
	s20 =	sshll.u32 s4, $0x1;
	s4 =	sadd.s32 s21, s2  }
0x9d: {  	[timem:s6], [sflag:s22] =	dma.local [hbm:s4], s20  }
0x9e: {  	_ =	swait.ge [sflag:s22], s20  }
0x9f: {  	s3 =	ssub.s32 $0x0, s20;
	[sflag:s22] =	ssyncset.done $0x0  }
0xa0: {  	[sflag:s22] =	ssyncadd.s32 s3;
	_ =	sdelay $0x1  }
0xa1: {  	s23 =	simm.s32 $0x1B8B  }
0xa2: {  	_ =	swait.ge [sflag:s23], $0x1  }
0xa3: {  	[sflag:s23] =	ssyncset.done $0x0  }
0xa4: {  	s25 =	simm.s32 $0x1B8E;
	s24 =	sld [smem:$0x3FFE];
	[sflag:s23] =	ssyncadd.s32 $0xFFFFFFFF  }
0xa5: {  	s26 =	simm.s32 $execute0_lowered;
	[smem:$0x3FD2] =	sst s25  }
0xa6: {  	s4 =	sshll.u32 s26, $0x1;
	_ =	strace $0x80000046;
	[dreg:$0x1] =	wrdreg $0xFFFFFFFF  }
0xa7: {  	s28 =	simm.s32 $_size_execute0_lowered;
	s2 =	sadd.s32 s2, s4;
	[dreg:$0x0] =	wrdreg $0x0  }
0xa8: {  	s4 =	sshll.u32 s28, $0x1;
	[dreg:$0x2] =	wrdreg s2  }
0xa9: {  	[dreg:$0x3] =	wrdreg s4  }
0xaa: {  	[dreg:$0x4] =	wrdreg $0xC0  }
0xab: {  	_ =	task [dreg:s6], $0x5FFFF  }
0xac: {  	[dreg:$0x1] =	wrdreg $0xFFFFFFFF  }
0xad: {  	[dreg:$0x0] =	wrdreg $0x60  }
0xae: {  	[dreg:$0x2] =	wrdreg s24  }
0xaf: {  	[dreg:$0x3] =	wrdreg $0x13C000  }
0xb0: {  	[dreg:$0x4] =	wrdreg $0x9  }
0xb1: {  	_ =	task.clear_ibuf [dreg:s6], $0x5FFFF;
	_ =	strace $0x90000046  }
0xb2: {  	s29 =	simm.s32 $0x9;
	_ =	strace $0x80000048  }
0xb3: {  	_ =	swait.ge [sflag:s29], $0x1  }
0xb4: {  	[sflag:s29] =	ssyncadd.s32 $0xFFFFFFFF  }
0xb5: {  	_ =	strace $0x90000048  }
0xb6: {  	_ =	sfence  }
0xb7: {  	s30 =	sld [smem:$0x0];
	_ =	sdelay $0x2  }
0xb8: {  	s31 =	sshll.u32 s1, $0xD;
	s1 =	sshrl.u32 s1, $0x2  }
0xb9: {  	s3 =	sand.u32 $0x4000, s31;
	s1 =	sadd.s32 s1, s30  }
0xba: {  	s0 =	sor.u32 s3, s0;
	s1 =	sshll.u32 s1, $0x11  }
0xbb: {  	s0 =	sor.u32 s1, s0  }
0xbc: {  	s0 =	sadd.s32 $0x8F2B, s0  }
0xbd: {  	[sflag:s0] =	ssyncadd.remote.s32 $0x1  }
0xbe: {  	_ =	sfence.sel $0xFFFF  }
0xbf: {  	[dreg:$0x0] =	wrdreg $0xFFFFFFFF;
	(pc) =	sbr.abs _section_cstart, $3  }
0xc0: {  	[dreg:$0x1] =	wrdreg $0xFFFFFFFF  }
0xc1: {  	_ =	task.clear_ibuf [dreg:s6], $0x2FFFF;
	_ =	strace $0x9FFFFFFF  }
0xc2: {  	(tm) =	ssettm $0x7FFFFFFF  }
0xc3: {  	_ =	shalt  }
tec
execute0_lowered:
.L_overlay_start_1:
0x0: {  	(tag) =	ssettag $0x1  }
0x1: {  	s0 =	rddreg [dreg:$0x0]  }
0x2: {  	s1 =	rddreg [dreg:$0x1];
	s2 =	simm.s32 $0x0  }
0x3: {  	s29 =	srdreg.scid;
	s30 =	stileid.u32;
	s16 =	simm.s32 $0xBC00  }
0x4: {  	s24 =	simm.s32 $0x40;
	s28 =	simm.s32 $0xFC00;
	s11 =	simm.s32 $0x12C00  }
0x5: {  	s12 =	simm.s32 $0x13400;
	s17 =	simm.s32 $0x5C00;
	s18 =	simm.s32 $0x9C00  }
0x6: {  	s19 =	simm.s32 $0x1;
	s20 =	simm.s32 $0x3;
	s21 =	simm.s32 $0x5  }
0x7: {  	s22 =	simm.s32 $0x2;
	[smem:$0x7FF] =	sst s2;
	s3 =	sadd.s32 $0x6A00, s0  }
0x8: {  	s25 =	sadd.s32 $0x38A00, s0;
	s26 =	sadd.s32 $0x6AA00, s0;
	s6 =	sadd.s32 $0x9CA00, s0  }
0x9: {  	s7 =	sadd.s32 $0x223400, s0;
	s4 =	sadd.s32 $0x2A00, s0;
	s8 =	sshll.u32 s30, $0x1  }
0xa: {  	_ =	strace $0x80000047;
	[dreg:$0x3] =	wrdreg s3;
	s3 =	sand.u32 $0x1, s29  }
0xb: {  	[dreg:$0x4] =	wrdreg s25;
	s5 =	ssub.s32 $0x2, s3;
	s3 =	sor.u32 s3, s8  }
0xc: {  	[dreg:$0x5] =	wrdreg s26;
	s31 =	sshrl.u32 s5, $0x1;
	s3 =	smul.u32 $0x190, s3  }
0xd: {  	s9 =	sadd.s32 $0x3A9E00, s0;
	[dreg:$0x6] =	wrdreg s4;
	s0 =	ssub.s32 s5, s31  }
0xe: {  	v2 =	vlaneseq.u32;
	p0 =	sne.s32 s30, $0x0;
	[dreg:$0x7] =	wrdreg s3;
	s0 =	smax.u32 s0, $0x1  }
0xf: {  	s23 =	simm.s32 $0x4;
	vm0 =	vmmov $0xff;
	v1 =	vshrl.u32 v2, $0x3;
	[dreg:$0x8] =	wrdreg s0;
	s0 =	sshrl.u32 @!p0 s1, $0x3  }
0x10: {  	v0 =	vand.u32 $0x7, v2;
	v2 =	vor.u32 $0x8, v2;
	s25 =	simm.s32 $0x6;
	v1 =	vmul.u32 $0x8, v1;
	s4 =	simm.s32 $0x0;
	[dreg:$0x9] =	wrdreg s0  }
.LBB2_1:
0x11: {  	[dreg:$0xa] =	wrdreg s4  }
0x12: {  	s3 =	rddreg [dreg:$0x6]  }
0x13: {  	s0 =	simm.s32 @!p0 $0x1C09;
	s4 =	rddreg [dreg:$0x9]  }
0x14: {  	[spmem:s4], [sflag:s0] =	dma.local @!p0 [hbm:s3], $0x3E80  }
0x15: {  	s0 =	simm.s32 @!p0 $0x9  }
0x16: {  	_ =	swait.ge @!p0 [sflag:s0], $0x3E80  }
0x17: {  	[sflag:s0] =	ssyncset.done @!p0 $0x0  }
0x18: {  	[sflag:s0] =	ssyncadd.s32 @!p0 $0xFFFFC180  }
0x19: {  	s26 =	simm.s32 $0x0;
	[bflag:$0x0] =	sbarrier.arrive $0xFFFF  }
.LBB2_2:
0x1a: {  	s0 =	smul.u32 $0x28, s26  }
0x1b: {  	s3 =	rddreg [dreg:$0x7]  }
0x1c: {  	s3 =	sadd.s32 s3, s0  }
0x1d: {  	s4 =	rddreg [dreg:$0x3];
	s0 =	sshll.u32 s3, $0x4  }
0x1e: {  	s5 =	simm.s32 $0x9;
	s4 =	sadd.s32 s4, s0  }
0x1f: {  	[tilespmem:s2], [sflag:$0x9] =	stream.linear.gather [hbm4b:s4+s2], $0x1400, $0x38;
	[tilespmem:$0x15B40] =	vst v63  }
0x20: {  	_ =	swait.ge [sflag:s5], $0x1400  }
0x21: {  	[sflag:s5] =	ssyncset.done $0x0;
	s15 =	rddreg [dreg:$0x4]  }
0x22: {  	s8 =	simm.s32 $0x1400;
	[sflag:s5] =	ssyncadd.s32 $0xFFFFEC00;
	s4 =	sadd.s32 s15, s0  }
0x23: {  	[tilespmem:s8], [sflag:$0x9] =	stream.linear.gather [hbm4b:s4+s2], $0x1400, $0x38;
	[tilespmem:$0x15B40] =	vst v63  }
0x24: {  	_ =	swait.ge [sflag:s5], $0x1400  }
0x25: {  	[sflag:s5] =	ssyncset.done $0x0;
	s29 =	rddreg [dreg:$0x5]  }
0x26: {  	s10 =	simm.s32 $0x2800;
	[sflag:s5] =	ssyncadd.s32 $0xFFFFEC00;
	s0 =	sadd.s32 s29, s0  }
0x27: {  	[tilespmem:s10], [sflag:$0x9] =	stream.linear.gather [hbm4b:s0+s2], $0x1400, $0x38;
	[tilespmem:$0x15B40] =	vst v63  }
0x28: {  	_ =	swait.ge [sflag:s5], $0x1400  }
0x29: {  	p1 =	seq.s32 s26, $0x0;
	[sflag:s5] =	ssyncset.done $0x0  }
0x2a: {  	s0 =	simm.s32 @!p1 $0x7;
	[sflag:s5] =	ssyncadd.s32 $0xFFFFEC00  }
0x2b: {  	_ =	swait.ge @!p1 [sflag:s0], $0x4000  }
0x2c: {  	[sflag:s0] =	ssyncset.done @!p1 $0x0  }
0x2d: {  	[sflag:s0] =	ssyncadd.s32 @!p1 $0xFFFFC000  }
0x2e: {  	v3 =	vld [tilespmem:$0x0];
	_ =	sdelay $0x4  }
0x2f: {  	v4 =	vperm.xlane v3, v0;
	_ =	sdelay $0x1  }
0x30: {  	v3 =	vperm.xlane v3, v2;
	v4 =	vadd.s32 v1, v4;
	_ =	sdelay $0x1  }
0x31: {  	v3 =	vadd.s32 v1, v3;
	_ =	sdelay $0x1  }
0x32: {  	s4 =	simm.s32 $0x0  }
0x33: {  	[tilespmem:s16], [sflag:$0x1] =	stream.indirect_vreg.gather [hbm4b:s6+s4], $0x80, v4, vm0, $0xb8;
	[tilespmem:$0x15B40] =	vst v63  }
0x34: {  	s30 =	simm.s32 $0xC400  }
0x35: {  	[tilespmem:s30], [sflag:$0x1] =	stream.indirect_vreg.gather [hbm4b:s6+s4], $0x80, v3, vm0, $0xb8;
	[tilespmem:$0x15B40] =	vst v63  }
0x36: {  	v3 =	vld [tilespmem:$0x10];
	_ =	sdelay $0x4  }
0x37: {  	v61 =	vperm.xlane v3, v0;
	_ =	sdelay $0x1  }
0x38: {  	v3 =	vperm.xlane v3, v2;
	v4 =	vadd.s32 v1, v61;
	_ =	sdelay $0x1  }
0x39: {  	v3 =	vadd.s32 v1, v3;
	_ =	sdelay $0x1  }
0x3a: {  	s31 =	simm.s32 $0xCC00  }
0x3b: {  	[tilespmem:s31], [sflag:$0x1] =	stream.indirect_vreg.gather [hbm4b:s6+s4], $0x80, v4, vm0, $0xb8;
	[tilespmem:$0x15B40] =	vst v63  }
0x3c: {  	s5 =	simm.s32 $0xD400  }
0x3d: {  	[tilespmem:s5], [sflag:$0x1] =	stream.indirect_vreg.gather [hbm4b:s6+s4], $0x80, v3, vm0, $0xb8;
	[tilespmem:$0x15B40] =	vst v63  }
0x3e: {  	v3 =	vld [tilespmem:$0x20];
	_ =	sdelay $0x4  }
0x3f: {  	v62 =	vperm.xlane v3, v0;
	_ =	sdelay $0x1  }
0x40: {  	v3 =	vperm.xlane v3, v2;
	v4 =	vadd.s32 v1, v62;
	_ =	sdelay $0x1  }
0x41: {  	v3 =	vadd.s32 v1, v3;
	_ =	sdelay $0x1  }
0x42: {  	s13 =	simm.s32 $0xDC00  }
0x43: {  	[tilespmem:s13], [sflag:$0x1] =	stream.indirect_vreg.gather [hbm4b:s6+s4], $0x80, v4, vm0, $0xb8;
	[tilespmem:$0x15B40] =	vst v63  }
0x44: {  	s14 =	simm.s32 $0xE400  }
0x45: {  	[tilespmem:s14], [sflag:$0x1] =	stream.indirect_vreg.gather [hbm4b:s6+s4], $0x80, v3, vm0, $0xb8;
	[tilespmem:$0x15B40] =	vst v63  }
0x46: {  	v3 =	vld [tilespmem:$0x30];
	_ =	sdelay $0x4  }
0x47: {  	v63 =	vperm.xlane v3, v0;
	_ =	sdelay $0x1  }
0x48: {  	v3 =	vperm.xlane v3, v2;
	v4 =	vadd.s32 v1, v63;
	_ =	sdelay $0x1  }
0x49: {  	v3 =	vadd.s32 v1, v3;
	_ =	sdelay $0x1  }
0x4a: {  	s15 =	simm.s32 $0xEC00  }
0x4b: {  	[tilespmem:s15], [sflag:$0x1] =	stream.indirect_vreg.gather [hbm4b:s6+s4], $0x80, v4, vm0, $0xb8;
	[tilespmem:$0x15B40] =	vst v63  }
0x4c: {  	s29 =	simm.s32 $0xF400  }
0x4d: {  	[tilespmem:s29], [sflag:$0x1] =	stream.indirect_vreg.gather [hbm4b:s6+s4], $0x80, v3, vm0, $0xb8;
	[tilespmem:$0x15B40] =	vst v63  }
0x4e: {  	s30 =	simm.s32 $0x3C00  }
0x4f: {  	[tilespmem:s30], [sflag:$0x3] =	stream.indirect.gather [hbm4b:s7+s24], $0x80, s8, s24, $0xb8;
	[tilespmem:$0x15B40] =	vst v63  }
0x50: {  	s31 =	simm.s32 $0x7C00;
	s5 =	simm.s32 $0x0  }
0x51: {  	[tilespmem:s31], [sflag:$0x5] =	stream.indirect.gather [spmem:s1], $0x80, s10, s24, $0xb8;
	[tilespmem:$0x15B40] =	vst v63  }
.LBB2_3:
0x52: {  	s0 =	sor.u32 s26, s5  }
0x53: {  	p1 =	seq.s32 s0, $0x0  }
0x54: {  	s0 =	simm.s32 @!p1 $0x8  }
0x55: {  	_ =	swait.ge @!p1 [sflag:s0], $0x4000  }
0x56: {  	s10 =	sshllo.u32 s5, $0x1;
	[sflag:s0] =	ssyncset.done @!p1 $0x0  }
0x57: {  	[sflag:s0] =	ssyncadd.s32 @!p1 $0xFFFFC000;
	s0 =	sshll.u32 s10, $0x7  }
0x58: {  	v3 =	vld [tilespmem:s0+$0x0];
	_ =	sdelay $0x4  }
0x59: {  	v4 =	vperm.xlane v3, v0;
	_ =	sdelay $0x1  }
0x5a: {  	v3 =	vperm.xlane v3, v2;
	v4 =	vadd.s32 v1, v4;
	_ =	sdelay $0x1  }
0x5b: {  	v3 =	vadd.s32 v1, v3;
	_ =	sdelay $0x2  }
0x5c: {  	[tilespmem:s28], [sflag:$0x2] =	stream.indirect_vreg.gather [hbm4b:s6+s4], $0x80, v4, vm0, $0xb8;
	[tilespmem:$0x15B40] =	vst v63  }
0x5d: {  	s8 =	simm.s32 $0x10400  }
0x5e: {  	[tilespmem:s8], [sflag:$0x2] =	stream.indirect_vreg.gather [hbm4b:s6+s4], $0x80, v3, vm0, $0xb8;
	[tilespmem:$0x15B40] =	vst v63  }
0x5f: {  	v3 =	vld [tilespmem:s0+$0x10];
	_ =	sdelay $0x4  }
0x60: {  	v4 =	vperm.xlane v3, v0;
	_ =	sdelay $0x1  }
0x61: {  	v3 =	vperm.xlane v3, v2;
	v4 =	vadd.s32 v1, v4;
	_ =	sdelay $0x1  }
0x62: {  	v3 =	vadd.s32 v1, v3;
	_ =	sdelay $0x1  }
0x63: {  	s14 =	simm.s32 $0x10C00  }
0x64: {  	[tilespmem:s14], [sflag:$0x2] =	stream.indirect_vreg.gather [hbm4b:s6+s4], $0x80, v4, vm0, $0xb8;
	[tilespmem:$0x15B40] =	vst v63  }
0x65: {  	s15 =	simm.s32 $0x11400  }
0x66: {  	[tilespmem:s15], [sflag:$0x2] =	stream.indirect_vreg.gather [hbm4b:s6+s4], $0x80, v3, vm0, $0xb8;
	[tilespmem:$0x15B40] =	vst v63  }
0x67: {  	v3 =	vld [tilespmem:s0+$0x20];
	_ =	sdelay $0x4  }
0x68: {  	v4 =	vperm.xlane v3, v0;
	_ =	sdelay $0x1  }
0x69: {  	v3 =	vperm.xlane v3, v2;
	v4 =	vadd.s32 v1, v4;
	_ =	sdelay $0x1  }
0x6a: {  	v3 =	vadd.s32 v1, v3;
	_ =	sdelay $0x1  }
0x6b: {  	s13 =	simm.s32 $0x11C00  }
0x6c: {  	[tilespmem:s13], [sflag:$0x2] =	stream.indirect_vreg.gather [hbm4b:s6+s4], $0x80, v4, vm0, $0xb8;
	[tilespmem:$0x15B40] =	vst v63  }
0x6d: {  	s14 =	simm.s32 $0x12400  }
0x6e: {  	[tilespmem:s14], [sflag:$0x2] =	stream.indirect_vreg.gather [hbm4b:s6+s4], $0x80, v3, vm0, $0xb8;
	[tilespmem:$0x15B40] =	vst v63  }
0x6f: {  	v3 =	vld [tilespmem:s0+$0x30];
	_ =	sdelay $0x4  }
0x70: {  	v4 =	vperm.xlane v3, v0;
	_ =	sdelay $0x1  }
0x71: {  	v3 =	vperm.xlane v3, v2;
	v4 =	vadd.s32 v1, v4;
	_ =	sdelay $0x1  }
0x72: {  	v3 =	vadd.s32 v1, v3;
	_ =	sdelay $0x2  }
0x73: {  	[tilespmem:s11], [sflag:$0x2] =	stream.indirect_vreg.gather [hbm4b:s6+s4], $0x80, v4, vm0, $0xb8;
	[tilespmem:$0x15B40] =	vst v63  }
0x74: {  	_ = 	snop  }
0x75: {  	[tilespmem:s12], [sflag:$0x2] =	stream.indirect_vreg.gather [hbm4b:s6+s4], $0x80, v3, vm0, $0xb8;
	[tilespmem:$0x15B40] =	vst v63  }
0x76: {  	s13 =	sadd.s32 $0x1400, s0  }
0x77: {  	[tilespmem:s17], [sflag:$0x4] =	stream.indirect.gather [hbm4b:s7+s24], $0x80, s13, s24, $0xb8;
	[tilespmem:$0x15B40] =	vst v63  }
0x78: {  	s0 =	sadd.s32 $0x2800, s0  }
0x79: {  	[tilespmem:s18], [sflag:$0x6] =	stream.indirect.gather [spmem:s1], $0x80, s0, s24, $0xb8;
	[tilespmem:$0x15B40] =	vst v63  }
0x7a: {  	_ =	swait.ge [sflag:s19], $0x2000  }
0x7b: {  	[sflag:s19] =	ssyncset.done $0x0  }
0x7c: {  	[sflag:s19] =	ssyncadd.s32 $0xFFFFE000  }
0x7d: {  	_ =	swait.ge [sflag:s20], $0x2000  }
0x7e: {  	[sflag:s20] =	ssyncset.done $0x0  }
0x7f: {  	[sflag:s20] =	ssyncadd.s32 $0xFFFFE000  }
0x80: {  	_ =	swait.ge [sflag:s21], $0x2000  }
0x81: {  	[sflag:s21] =	ssyncset.done $0x0  }
0x82: {  	s0 =	simm.s32 $0x3C80;
	[sflag:s21] =	ssyncadd.s32 $0xFFFFE000  }
0x83: {  	v3 =	vld [tilespmem:s0+$0xFFFFFF80];
	_ =	sdelay $0x1  }
0x84: {  	s15 =	sand.u32 $0x3800, s4  }
0x85: {  	s14 =	sand.u32 $0x300, s4;
	s13 =	sadd.s32 $0xBC00, s15  }
0x86: {  	s15 =	sor.u32 s14, s13  }
0x87: {  	s14 =	simm.s32 $0x7C80;
	[tilespmem:s15+$0x40] =	vst v3  }
0x88: {  	v3 =	vld [tilespmem:s14+$0xFFFFFF80];
	_ =	sdelay $0x4  }
0x89: {  	[tilespmem:s15+$0x400] =	vst v3  }
0x8a: {  	v3 =	vld [tilespmem:s0+$0xFFFFFF90];
	_ =	sdelay $0x4  }
0x8b: {  	[tilespmem:s15+$0x50] =	vst v3  }
0x8c: {  	v3 =	vld [tilespmem:s14+$0xFFFFFF90];
	_ =	sdelay $0x4  }
0x8d: {  	[tilespmem:s15+$0x410] =	vst v3  }
0x8e: {  	v3 =	vld [tilespmem:s0+$0xFFFFFFA0];
	_ =	sdelay $0x4  }
0x8f: {  	[tilespmem:s15+$0x60] =	vst v3  }
0x90: {  	v3 =	vld [tilespmem:s14+$0xFFFFFFA0];
	_ =	sdelay $0x4  }
0x91: {  	[tilespmem:s15+$0x420] =	vst v3  }
0x92: {  	v3 =	vld [tilespmem:s0+$0xFFFFFFB0];
	_ =	sdelay $0x4  }
0x93: {  	[tilespmem:s15+$0x70] =	vst v3  }
0x94: {  	v3 =	vld [tilespmem:s14+$0xFFFFFFB0];
	_ =	sdelay $0x4  }
0x95: {  	[tilespmem:s15+$0x430] =	vst v3  }
0x96: {  	v3 =	vld [tilespmem:s0+$0x0];
	_ =	sdelay $0x1  }
0x97: {  	s8 =	simm.s32 $0x80  }
0x98: {  	s15 =	sand.u32 $0x380, s8  }
0x99: {  	s13 =	sor.u32 s15, s13  }
0x9a: {  	[tilespmem:s13+$0x40] =	vst v3  }
0x9b: {  	v3 =	vld [tilespmem:s14+$0x0];
	_ =	sdelay $0x4  }
0x9c: {  	[tilespmem:s13+$0x400] =	vst v3  }
0x9d: {  	v3 =	vld [tilespmem:s0+$0x10];
	_ =	sdelay $0x4  }
0x9e: {  	[tilespmem:s13+$0x50] =	vst v3  }
0x9f: {  	v3 =	vld [tilespmem:s14+$0x10];
	_ =	sdelay $0x4  }
0xa0: {  	[tilespmem:s13+$0x410] =	vst v3  }
0xa1: {  	v3 =	vld [tilespmem:s0+$0x20];
	_ =	sdelay $0x4  }
0xa2: {  	[tilespmem:s13+$0x60] =	vst v3  }
0xa3: {  	v3 =	vld [tilespmem:s14+$0x20];
	_ =	sdelay $0x4  }
0xa4: {  	[tilespmem:s13+$0x420] =	vst v3  }
0xa5: {  	v3 =	vld [tilespmem:s0+$0x30];
	_ =	sdelay $0x4  }
0xa6: {  	[tilespmem:s13+$0x70] =	vst v3  }
0xa7: {  	v3 =	vld [tilespmem:s14+$0x30];
	_ =	sdelay $0x4  }
0xa8: {  	s29 =	simm.s32 $0x100;
	[tilespmem:s13+$0x430] =	vst v3;
	s13 =	simm.s32 $0x3D80  }
0xa9: {  	s31 =	simm.s32 $0x200;
	s30 =	simm.s32 $0x0;
	s15 =	sshll.u32 s5, $0x1;
	v3 =	vld [tilespmem:s13+$0xFFFFFF80]  }
.LBB2_4:
0xaa: {  	p1 =	sne.s32 s31, $0x1F00;
	s30 =	sadd.s32 $0x200, s30  }
0xab: {  	s0 =	sand.u32 $0x3800, s30  }
0xac: {  	s8 =	sand.u32 $0x300, s29;
	s0 =	sadd.s32 $0xBC00, s0  }
0xad: {  	s8 =	sor.u32 s8, s0  }
0xae: {  	s14 =	sadd.s32 $0x100, s14;
	[tilespmem:s8+$0x40] =	vst v3  }
0xaf: {  	v3 =	vld [tilespmem:s14+$0xFFFFFF80];
	_ =	sdelay $0x4  }
0xb0: {  	[tilespmem:s8+$0x400] =	vst v3  }
0xb1: {  	v3 =	vld [tilespmem:s13+$0xFFFFFF90];
	_ =	sdelay $0x4  }
0xb2: {  	[tilespmem:s8+$0x50] =	vst v3  }
0xb3: {  	v3 =	vld [tilespmem:s14+$0xFFFFFF90];
	_ =	sdelay $0x4  }
0xb4: {  	[tilespmem:s8+$0x410] =	vst v3  }
0xb5: {  	v3 =	vld [tilespmem:s13+$0xFFFFFFA0];
	_ =	sdelay $0x4  }
0xb6: {  	[tilespmem:s8+$0x60] =	vst v3  }
0xb7: {  	v3 =	vld [tilespmem:s14+$0xFFFFFFA0];
	_ =	sdelay $0x4  }
0xb8: {  	[tilespmem:s8+$0x420] =	vst v3  }
0xb9: {  	v3 =	vld [tilespmem:s13+$0xFFFFFFB0];
	_ =	sdelay $0x4  }
0xba: {  	[tilespmem:s8+$0x70] =	vst v3  }
0xbb: {  	v3 =	vld [tilespmem:s14+$0xFFFFFFB0];
	_ =	sdelay $0x4  }
0xbc: {  	[tilespmem:s8+$0x430] =	vst v3  }
0xbd: {  	v3 =	vld [tilespmem:s13+$0x0];
	_ =	sdelay $0x1  }
0xbe: {  	s8 =	sadd.s32 $0x80, s29;
	s29 =	smov.u32 s31  }
0xbf: {  	s8 =	sand.u32 $0x380, s8  }
0xc0: {  	s0 =	sor.u32 s8, s0  }
0xc1: {  	[tilespmem:s0+$0x40] =	vst v3  }
0xc2: {  	v3 =	vld [tilespmem:s14+$0x0];
	_ =	sdelay $0x4  }
0xc3: {  	[tilespmem:s0+$0x400] =	vst v3  }
0xc4: {  	v3 =	vld [tilespmem:s13+$0x10];
	_ =	sdelay $0x4  }
0xc5: {  	[tilespmem:s0+$0x50] =	vst v3  }
0xc6: {  	v3 =	vld [tilespmem:s14+$0x10];
	_ =	sdelay $0x4  }
0xc7: {  	[tilespmem:s0+$0x410] =	vst v3  }
0xc8: {  	v3 =	vld [tilespmem:s13+$0x20];
	_ =	sdelay $0x4  }
0xc9: {  	[tilespmem:s0+$0x60] =	vst v3  }
0xca: {  	v3 =	vld [tilespmem:s14+$0x20];
	_ =	sdelay $0x4  }
0xcb: {  	[tilespmem:s0+$0x420] =	vst v3  }
0xcc: {  	v3 =	vld [tilespmem:s13+$0x30];
	_ =	sdelay $0x4  }
0xcd: {  	[tilespmem:s0+$0x70] =	vst v3  }
0xce: {  	v3 =	vld [tilespmem:s14+$0x30];
	_ =	sdelay $0x1  }
.Ltmp0:
0xcf: {  	(pc) =	sbr.rel @p1 .LBB2_4-.Ltmp0, $3  }
0xd0: {  	_ =	sdelay $0x1  }
0xd1: {  	s13 =	sadd.s32 $0x100, s13;
	[tilespmem:s0+$0x430] =	vst v3  }
0xd2: {  	s31 =	sadd.s32 $0x100, s31;
	v3 =	vld [tilespmem:s13+$0xFFFFFF80]  }
0xd3: {  	s0 =	sadd.s32 $0x200, s30  }
0xd4: {  	s0 =	sand.u32 $0x3800, s0  }
0xd5: {  	s8 =	sand.u32 $0x300, s29;
	s0 =	sadd.s32 $0xBC00, s0  }
0xd6: {  	s8 =	sor.u32 s8, s0  }
0xd7: {  	s14 =	sadd.s32 $0x100, s14;
	[tilespmem:s8+$0x40] =	vst v3  }
0xd8: {  	v3 =	vld [tilespmem:s14+$0xFFFFFF80];
	_ =	sdelay $0x4  }
0xd9: {  	[tilespmem:s8+$0x400] =	vst v3  }
0xda: {  	v3 =	vld [tilespmem:s13+$0xFFFFFF90];
	_ =	sdelay $0x4  }
0xdb: {  	[tilespmem:s8+$0x50] =	vst v3  }
0xdc: {  	v3 =	vld [tilespmem:s14+$0xFFFFFF90];
	_ =	sdelay $0x4  }
0xdd: {  	[tilespmem:s8+$0x410] =	vst v3  }
0xde: {  	v3 =	vld [tilespmem:s13+$0xFFFFFFA0];
	_ =	sdelay $0x4  }
0xdf: {  	[tilespmem:s8+$0x60] =	vst v3  }
0xe0: {  	v3 =	vld [tilespmem:s14+$0xFFFFFFA0];
	_ =	sdelay $0x4  }
0xe1: {  	[tilespmem:s8+$0x420] =	vst v3  }
0xe2: {  	v3 =	vld [tilespmem:s13+$0xFFFFFFB0];
	_ =	sdelay $0x4  }
0xe3: {  	[tilespmem:s8+$0x70] =	vst v3  }
0xe4: {  	v3 =	vld [tilespmem:s14+$0xFFFFFFB0];
	_ =	sdelay $0x4  }
0xe5: {  	[tilespmem:s8+$0x430] =	vst v3  }
0xe6: {  	v3 =	vld [tilespmem:s13+$0x0];
	_ =	sdelay $0x1  }
0xe7: {  	s31 =	sadd.s32 $0x80, s29  }
0xe8: {  	s8 =	sand.u32 $0x380, s31  }
0xe9: {  	s0 =	sor.u32 s8, s0  }
0xea: {  	[tilespmem:s0+$0x40] =	vst v3  }
0xeb: {  	v3 =	vld [tilespmem:s14+$0x0];
	_ =	sdelay $0x4  }
0xec: {  	[tilespmem:s0+$0x400] =	vst v3  }
0xed: {  	v3 =	vld [tilespmem:s13+$0x10];
	_ =	sdelay $0x4  }
0xee: {  	[tilespmem:s0+$0x50] =	vst v3  }
0xef: {  	v3 =	vld [tilespmem:s14+$0x10];
	_ =	sdelay $0x4  }
0xf0: {  	[tilespmem:s0+$0x410] =	vst v3  }
0xf1: {  	v3 =	vld [tilespmem:s13+$0x20];
	_ =	sdelay $0x4  }
0xf2: {  	[tilespmem:s0+$0x60] =	vst v3  }
0xf3: {  	v3 =	vld [tilespmem:s14+$0x20];
	_ =	sdelay $0x4  }
0xf4: {  	[tilespmem:s0+$0x420] =	vst v3  }
0xf5: {  	v3 =	vld [tilespmem:s13+$0x30];
	_ =	sdelay $0x4  }
0xf6: {  	[tilespmem:s0+$0x70] =	vst v3  }
0xf7: {  	v3 =	vld [tilespmem:s14+$0x30];
	_ =	sdelay $0x2  }
0xf8: {  	s31 =	sadd.s32 s3, s15  }
0xf9: {  	p1 =	seq.s32 s5, $0x13;
	s8 =	sshll.u32 s31, $0xB  }
0xfa: {  	s8 =	sadd.s32 s9, s8;
	[tilespmem:s0+$0x430] =	vst v3;
	s0 =	simm.s32 @!p1 $0x7  }
0xfb: {  	[hbm4b:s8+s2] =	stream.linear.scatter [tilespmem:s16], [sflag:$0x7], $0x4000, $0x38;
	[tilespmem:$0x15B40] =	vst v63  }
0xfc: {  	_ =	swait.ge @!p1 [sflag:s0], $0x4000  }
0xfd: {  	[sflag:s0] =	ssyncset.done @!p1 $0x0  }
0xfe: {  	[sflag:s0] =	ssyncadd.s32 @!p1 $0xFFFFC000;
	s0 =	sshll.u32 @!p1 s5, $0x8  }
0xff: {  	v3 =	vld @!p1 [tilespmem:s0+$0x100];
	_ =	sdelay $0x2  }
0x100: {  	v4 =	vlaneseq.u32 @!p1  }
0x101: {  	v5 =	vand.u32 @!p1 $0x7, v4;
	v6 =	vshrl.u32 @!p1 v4, $0x3  }
0x102: {  	v6 =	vmul.u32 @!p1 $0x8, v6;
	v7 =	vperm.xlane @!p1 v3, v5  }
0x103: {  	v4 =	vor.u32 @!p1 $0x8, v4  }
0x104: {  	v3 =	vperm.xlane @!p1 v3, v4;
	v7 =	vadd.s32 @!p1 v6, v7;
	_ =	sdelay $0x1  }
0x105: {  	v3 =	vadd.s32 @!p1 v6, v3;
	_ =	sdelay $0x1  }
0x106: {  	vm1 =	vmmov @!p1 $0xff;
	s13 =	simm.s32 @!p1 $0xBC00;
	s8 =	simm.s32 @!p1 $0x0  }
0x107: {  	[tilespmem:s13], [sflag:$0x1] =	stream.indirect_vreg.gather @!p1 [hbm4b:s6+s8], $0x80, v7, vm1, $0xb8;
	[tilespmem:$0x15B40] =	vst v63  }
0x108: {  	s13 =	simm.s32 @!p1 $0xC400  }
0x109: {  	[tilespmem:s13], [sflag:$0x1] =	stream.indirect_vreg.gather @!p1 [hbm4b:s6+s8], $0x80, v3, vm1, $0xb8;
	[tilespmem:$0x15B40] =	vst v63  }
0x10a: {  	v3 =	vld @!p1 [tilespmem:s0+$0x110];
	_ =	sdelay $0x4  }
0x10b: {  	v7 =	vperm.xlane @!p1 v3, v5;
	_ =	sdelay $0x1  }
0x10c: {  	v3 =	vperm.xlane @!p1 v3, v4;
	v7 =	vadd.s32 @!p1 v6, v7;
	_ =	sdelay $0x1  }
0x10d: {  	v3 =	vadd.s32 @!p1 v6, v3;
	_ =	sdelay $0x1  }
0x10e: {  	s13 =	simm.s32 @!p1 $0xCC00  }
0x10f: {  	[tilespmem:s13], [sflag:$0x1] =	stream.indirect_vreg.gather @!p1 [hbm4b:s6+s8], $0x80, v7, vm1, $0xb8;
	[tilespmem:$0x15B40] =	vst v63  }
0x110: {  	s13 =	simm.s32 @!p1 $0xD400  }
0x111: {  	[tilespmem:s13], [sflag:$0x1] =	stream.indirect_vreg.gather @!p1 [hbm4b:s6+s8], $0x80, v3, vm1, $0xb8;
	[tilespmem:$0x15B40] =	vst v63  }
0x112: {  	v3 =	vld @!p1 [tilespmem:s0+$0x120];
	_ =	sdelay $0x4  }
0x113: {  	v7 =	vperm.xlane @!p1 v3, v5;
	_ =	sdelay $0x1  }
0x114: {  	v3 =	vperm.xlane @!p1 v3, v4;
	v7 =	vadd.s32 @!p1 v6, v7;
	_ =	sdelay $0x1  }
0x115: {  	v3 =	vadd.s32 @!p1 v6, v3;
	_ =	sdelay $0x1  }
0x116: {  	s13 =	simm.s32 @!p1 $0xDC00  }
0x117: {  	[tilespmem:s13], [sflag:$0x1] =	stream.indirect_vreg.gather @!p1 [hbm4b:s6+s8], $0x80, v7, vm1, $0xb8;
	[tilespmem:$0x15B40] =	vst v63  }
0x118: {  	s13 =	simm.s32 @!p1 $0xE400  }
0x119: {  	[tilespmem:s13], [sflag:$0x1] =	stream.indirect_vreg.gather @!p1 [hbm4b:s6+s8], $0x80, v3, vm1, $0xb8;
	[tilespmem:$0x15B40] =	vst v63  }
0x11a: {  	v3 =	vld @!p1 [tilespmem:s0+$0x130];
	_ =	sdelay $0x4  }
0x11b: {  	v5 =	vperm.xlane @!p1 v3, v5;
	_ =	sdelay $0x1  }
0x11c: {  	v3 =	vperm.xlane @!p1 v3, v4;
	v5 =	vadd.s32 @!p1 v6, v5;
	_ =	sdelay $0x1  }
0x11d: {  	v3 =	vadd.s32 @!p1 v6, v3;
	_ =	sdelay $0x1  }
0x11e: {  	s13 =	simm.s32 @!p1 $0xEC00  }
0x11f: {  	[tilespmem:s13], [sflag:$0x1] =	stream.indirect_vreg.gather @!p1 [hbm4b:s6+s8], $0x80, v5, vm1, $0xb8;
	[tilespmem:$0x15B40] =	vst v63  }
0x120: {  	s13 =	simm.s32 @!p1 $0xF400  }
0x121: {  	[tilespmem:s13], [sflag:$0x1] =	stream.indirect_vreg.gather @!p1 [hbm4b:s6+s8], $0x80, v3, vm1, $0xb8;
	[tilespmem:$0x15B40] =	vst v63  }
0x122: {  	s14 =	simm.s32 @!p1 $0x3C00;
	s8 =	sadd.s32 @!p1 $0x1500, s0;
	s13 =	simm.s32 @!p1 $0x40  }
0x123: {  	[tilespmem:s14], [sflag:$0x3] =	stream.indirect.gather @!p1 [hbm4b:s7+s13], $0x80, s8, s13, $0xb8;
	[tilespmem:$0x15B40] =	vst v63  }
0x124: {  	s0 =	sadd.s32 @!p1 $0x2900, s0;
	s8 =	simm.s32 @!p1 $0x7C00  }
0x125: {  	[tilespmem:s8], [sflag:$0x5] =	stream.indirect.gather @!p1 [spmem:s1], $0x80, s0, s13, $0xb8;
	[tilespmem:$0x15B40] =	vst v63  }
0x126: {  	_ =	swait.ge [sflag:s22], $0x2000  }
0x127: {  	[sflag:s22] =	ssyncset.done $0x0  }
0x128: {  	[sflag:s22] =	ssyncadd.s32 $0xFFFFE000  }
0x129: {  	_ =	swait.ge [sflag:s23], $0x2000  }
0x12a: {  	[sflag:s23] =	ssyncset.done $0x0  }
0x12b: {  	[sflag:s23] =	ssyncadd.s32 $0xFFFFE000  }
0x12c: {  	_ =	swait.ge [sflag:s25], $0x2000  }
0x12d: {  	[sflag:s25] =	ssyncset.done $0x0  }
0x12e: {  	s0 =	simm.s32 $0x5C80;
	[sflag:s25] =	ssyncadd.s32 $0xFFFFE000  }
0x12f: {  	v3 =	vld [tilespmem:s0+$0xFFFFFF80]  }
0x130: {  	s15 =	simm.s32 $0x0  }
0x131: {  	s13 =	sand.u32 $0x3800, s15  }
0x132: {  	s14 =	sand.u32 $0x300, s15;
	s8 =	sadd.s32 $0xFC00, s13  }
0x133: {  	s13 =	sor.u32 s14, s8  }
0x134: {  	s14 =	simm.s32 $0x9C80;
	[tilespmem:s13+$0x40] =	vst v3  }
0x135: {  	v3 =	vld [tilespmem:s14+$0xFFFFFF80];
	_ =	sdelay $0x4  }
0x136: {  	[tilespmem:s13+$0x400] =	vst v3  }
0x137: {  	v3 =	vld [tilespmem:s0+$0xFFFFFF90];
	_ =	sdelay $0x4  }
0x138: {  	[tilespmem:s13+$0x50] =	vst v3  }
0x139: {  	v3 =	vld [tilespmem:s14+$0xFFFFFF90];
	_ =	sdelay $0x4  }
0x13a: {  	[tilespmem:s13+$0x410] =	vst v3  }
0x13b: {  	v3 =	vld [tilespmem:s0+$0xFFFFFFA0];
	_ =	sdelay $0x4  }
0x13c: {  	[tilespmem:s13+$0x60] =	vst v3  }
0x13d: {  	v3 =	vld [tilespmem:s14+$0xFFFFFFA0];
	_ =	sdelay $0x4  }
0x13e: {  	[tilespmem:s13+$0x420] =	vst v3  }
0x13f: {  	v3 =	vld [tilespmem:s0+$0xFFFFFFB0];
	_ =	sdelay $0x4  }
0x140: {  	[tilespmem:s13+$0x70] =	vst v3  }
0x141: {  	v3 =	vld [tilespmem:s14+$0xFFFFFFB0];
	_ =	sdelay $0x4  }
0x142: {  	[tilespmem:s13+$0x430] =	vst v3  }
0x143: {  	v3 =	vld [tilespmem:s0+$0x0];
	_ =	sdelay $0x1  }
0x144: {  	s31 =	simm.s32 $0x80  }
0x145: {  	s13 =	sand.u32 $0x380, s31  }
0x146: {  	s8 =	sor.u32 s13, s8  }
0x147: {  	[tilespmem:s8+$0x40] =	vst v3  }
0x148: {  	v3 =	vld [tilespmem:s14+$0x0];
	_ =	sdelay $0x4  }
0x149: {  	[tilespmem:s8+$0x400] =	vst v3  }
0x14a: {  	v3 =	vld [tilespmem:s0+$0x10];
	_ =	sdelay $0x4  }
0x14b: {  	[tilespmem:s8+$0x50] =	vst v3  }
0x14c: {  	v3 =	vld [tilespmem:s14+$0x10];
	_ =	sdelay $0x4  }
0x14d: {  	[tilespmem:s8+$0x410] =	vst v3  }
0x14e: {  	v3 =	vld [tilespmem:s0+$0x20];
	_ =	sdelay $0x4  }
0x14f: {  	[tilespmem:s8+$0x60] =	vst v3  }
0x150: {  	v3 =	vld [tilespmem:s14+$0x20];
	_ =	sdelay $0x4  }
0x151: {  	[tilespmem:s8+$0x420] =	vst v3  }
0x152: {  	v3 =	vld [tilespmem:s0+$0x30];
	_ =	sdelay $0x4  }
0x153: {  	[tilespmem:s8+$0x70] =	vst v3  }
0x154: {  	v3 =	vld [tilespmem:s14+$0x30];
	_ =	sdelay $0x4  }
0x155: {  	s13 =	simm.s32 $0x5D80;
	[tilespmem:s8+$0x430] =	vst v3  }
0x156: {  	s29 =	simm.s32 $0x100;
	s30 =	simm.s32 $0x200;
	v3 =	vld [tilespmem:s13+$0xFFFFFF80]  }
.LBB2_6:
0x157: {  	p1 =	sne.s32 s30, $0x1F00;
	s15 =	sadd.s32 $0x200, s15  }
0x158: {  	s0 =	sand.u32 $0x3800, s15  }
0x159: {  	s8 =	sand.u32 $0x300, s29;
	s0 =	sadd.s32 $0xFC00, s0  }
0x15a: {  	s8 =	sor.u32 s8, s0  }
0x15b: {  	s14 =	sadd.s32 $0x100, s14;
	[tilespmem:s8+$0x40] =	vst v3  }
0x15c: {  	v3 =	vld [tilespmem:s14+$0xFFFFFF80];
	_ =	sdelay $0x4  }
0x15d: {  	[tilespmem:s8+$0x400] =	vst v3  }
0x15e: {  	v3 =	vld [tilespmem:s13+$0xFFFFFF90];
	_ =	sdelay $0x4  }
0x15f: {  	[tilespmem:s8+$0x50] =	vst v3  }
0x160: {  	v3 =	vld [tilespmem:s14+$0xFFFFFF90];
	_ =	sdelay $0x4  }
0x161: {  	[tilespmem:s8+$0x410] =	vst v3  }
0x162: {  	v3 =	vld [tilespmem:s13+$0xFFFFFFA0];
	_ =	sdelay $0x4  }
0x163: {  	[tilespmem:s8+$0x60] =	vst v3  }
0x164: {  	v3 =	vld [tilespmem:s14+$0xFFFFFFA0];
	_ =	sdelay $0x4  }
0x165: {  	[tilespmem:s8+$0x420] =	vst v3  }
0x166: {  	v3 =	vld [tilespmem:s13+$0xFFFFFFB0];
	_ =	sdelay $0x4  }
0x167: {  	[tilespmem:s8+$0x70] =	vst v3  }
0x168: {  	v3 =	vld [tilespmem:s14+$0xFFFFFFB0];
	_ =	sdelay $0x4  }
0x169: {  	[tilespmem:s8+$0x430] =	vst v3  }
0x16a: {  	v3 =	vld [tilespmem:s13+$0x0];
	_ =	sdelay $0x1  }
0x16b: {  	s8 =	sadd.s32 $0x80, s29;
	s29 =	smov.u32 s30  }
0x16c: {  	s8 =	sand.u32 $0x380, s8  }
0x16d: {  	s0 =	sor.u32 s8, s0  }
0x16e: {  	[tilespmem:s0+$0x40] =	vst v3  }
0x16f: {  	v3 =	vld [tilespmem:s14+$0x0];
	_ =	sdelay $0x4  }
0x170: {  	[tilespmem:s0+$0x400] =	vst v3  }
0x171: {  	v3 =	vld [tilespmem:s13+$0x10];
	_ =	sdelay $0x4  }
0x172: {  	[tilespmem:s0+$0x50] =	vst v3  }
0x173: {  	v3 =	vld [tilespmem:s14+$0x10];
	_ =	sdelay $0x4  }
0x174: {  	[tilespmem:s0+$0x410] =	vst v3  }
0x175: {  	v3 =	vld [tilespmem:s13+$0x20];
	_ =	sdelay $0x4  }
0x176: {  	[tilespmem:s0+$0x60] =	vst v3  }
0x177: {  	v3 =	vld [tilespmem:s14+$0x20];
	_ =	sdelay $0x4  }
0x178: {  	[tilespmem:s0+$0x420] =	vst v3  }
0x179: {  	v3 =	vld [tilespmem:s13+$0x30];
	_ =	sdelay $0x4  }
0x17a: {  	[tilespmem:s0+$0x70] =	vst v3  }
0x17b: {  	v3 =	vld [tilespmem:s14+$0x30];
	_ =	sdelay $0x1  }
.Ltmp1:
0x17c: {  	(pc) =	sbr.rel @p1 .LBB2_6-.Ltmp1, $3  }
0x17d: {  	_ =	sdelay $0x1  }
0x17e: {  	s13 =	sadd.s32 $0x100, s13;
	[tilespmem:s0+$0x430] =	vst v3  }
0x17f: {  	s30 =	sadd.s32 $0x100, s30;
	v3 =	vld [tilespmem:s13+$0xFFFFFF80]  }
0x180: {  	s0 =	sadd.s32 $0x200, s15  }
0x181: {  	s0 =	sand.u32 $0x3800, s0  }
0x182: {  	s8 =	sand.u32 $0x300, s29;
	s0 =	sadd.s32 $0xFC00, s0  }
0x183: {  	s8 =	sor.u32 s8, s0  }
0x184: {  	s14 =	sadd.s32 $0x100, s14;
	[tilespmem:s8+$0x40] =	vst v3  }
0x185: {  	v3 =	vld [tilespmem:s14+$0xFFFFFF80];
	_ =	sdelay $0x4  }
0x186: {  	[tilespmem:s8+$0x400] =	vst v3  }
0x187: {  	v3 =	vld [tilespmem:s13+$0xFFFFFF90];
	_ =	sdelay $0x4  }
0x188: {  	[tilespmem:s8+$0x50] =	vst v3  }
0x189: {  	v3 =	vld [tilespmem:s14+$0xFFFFFF90];
	_ =	sdelay $0x4  }
0x18a: {  	[tilespmem:s8+$0x410] =	vst v3  }
0x18b: {  	v3 =	vld [tilespmem:s13+$0xFFFFFFA0];
	_ =	sdelay $0x4  }
0x18c: {  	[tilespmem:s8+$0x60] =	vst v3  }
0x18d: {  	v3 =	vld [tilespmem:s14+$0xFFFFFFA0];
	_ =	sdelay $0x4  }
0x18e: {  	[tilespmem:s8+$0x420] =	vst v3  }
0x18f: {  	v3 =	vld [tilespmem:s13+$0xFFFFFFB0];
	_ =	sdelay $0x4  }
0x190: {  	[tilespmem:s8+$0x70] =	vst v3  }
0x191: {  	v3 =	vld [tilespmem:s14+$0xFFFFFFB0];
	_ =	sdelay $0x4  }
0x192: {  	[tilespmem:s8+$0x430] =	vst v3  }
0x193: {  	v3 =	vld [tilespmem:s13+$0x0];
	_ =	sdelay $0x1  }
0x194: {  	s29 =	sadd.s32 $0x80, s29  }
0x195: {  	s8 =	sand.u32 $0x380, s29  }
0x196: {  	s0 =	sor.u32 s8, s0  }
0x197: {  	[tilespmem:s0+$0x40] =	vst v3  }
0x198: {  	v3 =	vld [tilespmem:s14+$0x0];
	_ =	sdelay $0x4  }
0x199: {  	[tilespmem:s0+$0x400] =	vst v3  }
0x19a: {  	v3 =	vld [tilespmem:s13+$0x10];
	_ =	sdelay $0x4  }
0x19b: {  	[tilespmem:s0+$0x50] =	vst v3  }
0x19c: {  	v3 =	vld [tilespmem:s14+$0x10];
	_ =	sdelay $0x4  }
0x19d: {  	[tilespmem:s0+$0x410] =	vst v3  }
0x19e: {  	v3 =	vld [tilespmem:s13+$0x20];
	_ =	sdelay $0x4  }
0x19f: {  	[tilespmem:s0+$0x60] =	vst v3  }
0x1a0: {  	v3 =	vld [tilespmem:s14+$0x20];
	_ =	sdelay $0x4  }
0x1a1: {  	[tilespmem:s0+$0x420] =	vst v3  }
0x1a2: {  	v3 =	vld [tilespmem:s13+$0x30];
	_ =	sdelay $0x4  }
0x1a3: {  	[tilespmem:s0+$0x70] =	vst v3  }
0x1a4: {  	s5 =	sadd.s32 $0x1, s5;
	v3 =	vld [tilespmem:s14+$0x30]  }
0x1a5: {  	p1 =	sne.s32 s5, $0x14  }
.Ltmp2:
0x1a6: {  	s30 =	sadd.s32 s3, s10;
	(pc) =	sbr.rel @p1 .LBB2_3-.Ltmp2, $4  }
0x1a7: {  	s8 =	sshll.u32 s30, $0xB  }
0x1a8: {  	s8 =	sand.u32 $0x1FFFF800, s8  }
0x1a9: {  	s31 =	sadd.s32 s9, s8;
	[tilespmem:s0+$0x430] =	vst v3  }
0x1aa: {  	[hbm4b:s31+s2] =	stream.linear.scatter [tilespmem:s28], [sflag:$0x8], $0x4000, $0x38;
	[tilespmem:$0x15B40] =	vst v63  }
0x1ab: {  	s26 =	sadd.s32 $0x1, s26  }
0x1ac: {  	p1 =	sne.s32 s26, $0xA  }
.Ltmp3:
0x1ad: {  	_ = 	snop;
	(pc) =	sbr.rel @p1 .LBB2_2-.Ltmp3, $1  }
0x1ae: {  	_ =	sdelay $0x3  }
0x1af: {  	s0 =	simm.s32 $0x7  }
0x1b0: {  	_ =	swait.ge [sflag:s0], $0x4000  }
0x1b1: {  	[sflag:s0] =	ssyncset.done $0x0  }
0x1b2: {  	s3 =	simm.s32 $0x8;
	[sflag:s0] =	ssyncadd.s32 $0xFFFFC000  }
0x1b3: {  	_ =	swait.ge [sflag:s3], $0x4000  }
0x1b4: {  	s4 =	rddreg [dreg:$0xa]  }
0x1b5: {  	s31 =	rddreg [dreg:$0x8];
	s4 =	sadd.s32 $0x1, s4  }
0x1b6: {  	p1 =	sne.s32 s4, s31  }
.Ltmp4:
0x1b7: {  	_ = 	snop;
	(pc) =	sbr.rel @p1 .LBB2_1-.Ltmp4, $3  }
0x1b8: {  	_ =	sdelay $0x1  }
0x1b9: {  	[sflag:s3] =	ssyncset.done $0x0  }
0x1ba: {  	[sflag:s3] =	ssyncadd.s32 $0xFFFFC000  }
0x1bb: {  	_ =	sfence.sel $0x180000  }
0x1bc: {  	[bflag:$0x0] =	sbarrier.arrive $0xFFFF  }
0x1bd: {  	_ =	strace $0x90000047  }
0x1be: {  	[bflag:$0x2] =	sbarrier.arrive $0xFFFF  }
0x1bf: {  	s0 =	rddreg [dreg:$0x2]  }
0x1c0: {  	s0 =	sadd.s32 @!p0 $0x100000, s0  }
0x1c1: {  	[sflag:s0] =	ssyncadd.tile.s32 @!p0 $0x1;
	_ =	shalt  }
.Lfunc_end2:
_tile_overlayer_lowered:
.L_overlay_start_2:
0x1c2: {  	(tag) =	ssettag $0x2  }
0x1c3: {  	s0 =	rddreg [dreg:$0x0];
	s2 =	stileid.u32  }
0x1c4: {  	s1 =	rddreg [dreg:$0x1];
	p0 =	sne.s32 s2, $0x0  }
0x1c5: {  	s3 =	rddreg [dreg:$0x2];
	[bflag:$0x3] =	sbarrier.arrive $0xFFFF;
	s2 =	simm.s32 @!p0 $0x1C09  }
0x1c6: {  	[timem:s3], [sflag:s2] =	dma.local @!p0 [hbm:s0], s1  }
0x1c7: {  	s0 =	simm.s32 @!p0 $0x9  }
0x1c8: {  	_ =	swait.ge @!p0 [sflag:s0], s1  }
0x1c9: {  	s1 =	ssub.s32 @!p0 $0x0, s1;
	[sflag:s0] =	ssyncset.done @!p0 $0x0  }
0x1ca: {  	[sflag:s0] =	ssyncadd.s32 @!p0 s1  }
0x1cb: {  	[bflag:$0x3] =	sbarrier.arrive $0xFFFF  }
0x1cc: {  	_ =	shalt  }

// kernel: sparse-core-data-format-call.cloned.1.call-start
scs
called_computation_lowered:
.L_overlay_start_0:
0x0: {  	s2 =	sld [smem:$0x3FD9]  }
0x1: {  	s3 =	sld [smem:$0x3FFE];
	_ =	sdelay $0x1  }
0x2: {  	s1 =	srdreg.scid  }
0x3: {  	s0 =	sand.u32 $0x1, s1  }
0x4: {  	s18 =	sshll.u32 s0, $0xA;
	s2 =	sadd.s32 s3, s2  }
0x5: {  	s2 =	sadd.s32 s2, s18  }
0x6: {  	[smem:$0x3FC2] =	sst s2  }
0x7: {  	_ = 	snop  }
0x8: {  	s2 =	sld [smem:$0x3FD0];
	(tm) =	ssettm $0x1  }
0x9: {  	s19 =	sld [smem:$0x3FFB];
	_ =	sdelay $0x3  }
0xa: {  	_ =	strace s19  }
0xb: {  	s3 =	sld [smem:$0x3FFC];
	_ =	sdelay $0x3  }
0xc: {  	_ =	strace s3  }
0xd: {  	s3 =	sld [smem:$0x3FFD];
	_ =	sdelay $0x3  }
0xe: {  	_ =	strace s3  }
0xf: {  	_ =	strace $0x8FFFFFFF  }
0x10: {  	s20 =	sld [smem:$0x3FDB];
	_ =	sdelay $0x1  }
0x11: {  	s4 =	simm.s32 $_scs_section_size  }
0x12: {  	s5 =	simm.s32 $_size__tile_overlayer_lowered;
	s6 =	simm.s32 $_tile_overlayer_lowered  }
0x13: {  	s23 =	simm.s32 $0x1BFF;
	s22 =	sshll.u32 s6, $0x1;
	s3 =	sadd.s32 s4, s20  }
0x14: {  	s7 =	simm.s32 $0x0;
	s21 =	sshll.u32 s5, $0x1;
	s5 =	sadd.s32 s22, s3  }
0x15: {  	[timem:s7], [sflag:s23] =	dma.local [hbm:s5], s21  }
0x16: {  	_ =	swait.ge [sflag:s23], s21  }
0x17: {  	s4 =	ssub.s32 $0x0, s21;
	[sflag:s23] =	ssyncset.done $0x0  }
0x18: {  	[sflag:s23] =	ssyncadd.s32 s4;
	_ =	sdelay $0x1  }
0x19: {  	s24 =	simm.s32 $0x1B8B  }
0x1a: {  	_ =	swait.ge [sflag:s24], $0x1  }
0x1b: {  	[sflag:s24] =	ssyncset.done $0x0  }
0x1c: {  	s26 =	simm.s32 $0x1B8E;
	s25 =	sld [smem:$0x3FFE];
	[sflag:s24] =	ssyncadd.s32 $0xFFFFFFFF  }
0x1d: {  	s27 =	simm.s32 $execute0_lowered;
	[smem:$0x3FD2] =	sst s26  }
0x1e: {  	s5 =	sshll.u32 s27, $0x1;
	_ =	strace $0x80000049;
	[dreg:$0x1] =	wrdreg $0xFFFFFFFF  }
0x1f: {  	s28 =	simm.s32 $_size_execute0_lowered;
	s3 =	sadd.s32 s3, s5;
	[dreg:$0x0] =	wrdreg $0x0  }
0x20: {  	s5 =	sshll.u32 s28, $0x1;
	[dreg:$0x2] =	wrdreg s3  }
0x21: {  	[dreg:$0x3] =	wrdreg s5  }
0x22: {  	[dreg:$0x4] =	wrdreg $0xC0  }
0x23: {  	_ =	task [dreg:s7], $0x5FFFF  }
0x24: {  	[dreg:$0x1] =	wrdreg $0xFFFFFFFF  }
0x25: {  	[dreg:$0x0] =	wrdreg $0x60  }
0x26: {  	[dreg:$0x2] =	wrdreg s25  }
0x27: {  	[dreg:$0x3] =	wrdreg s2  }
0x28: {  	[dreg:$0x4] =	wrdreg $0x9  }
0x29: {  	_ =	task.clear_ibuf [dreg:s7], $0x5FFFF;
	_ =	strace $0x90000049  }
0x2a: {  	s29 =	simm.s32 $0x9;
	_ =	strace $0x8000004B  }
0x2b: {  	_ =	swait.ge [sflag:s29], $0x1  }
0x2c: {  	[sflag:s29] =	ssyncadd.s32 $0xFFFFFFFF  }
0x2d: {  	_ =	strace $0x9000004B  }
0x2e: {  	_ =	sfence  }
0x2f: {  	s30 =	sld [smem:$0x0];
	_ =	sdelay $0x2  }
0x30: {  	s31 =	sshll.u32 s1, $0xD;
	s1 =	sshrl.u32 s1, $0x2  }
0x31: {  	s3 =	sand.u32 $0x4000, s31;
	s1 =	sadd.s32 s1, s30  }
0x32: {  	s0 =	sor.u32 s3, s0;
	s1 =	sshll.u32 s1, $0x11  }
0x33: {  	s0 =	sor.u32 s1, s0  }
0x34: {  	s0 =	sadd.s32 $0x8F2B, s0  }
0x35: {  	[sflag:s0] =	ssyncadd.remote.s32 $0x1  }
0x36: {  	_ =	sfence.sel $0xFFFF  }
0x37: {  	[dreg:$0x0] =	wrdreg $0xFFFFFFFF;
	(pc) =	sbr.abs _section_cstart, $3  }
0x38: {  	[dreg:$0x1] =	wrdreg $0xFFFFFFFF  }
0x39: {  	_ =	task.clear_ibuf [dreg:s7], $0x2FFFF;
	_ =	strace $0x9FFFFFFF  }
0x3a: {  	(tm) =	ssettm $0x7FFFFFFF  }
0x3b: {  	_ =	shalt  }
tec
execute0_lowered:
.L_overlay_start_1:
0x0: {  	(tag) =	ssettag $0x1  }
0x1: {  	s0 =	srdreg.scid;
	s6 =	rddreg [dreg:$0x0]  }
0x2: {  	s3 =	rddreg [dreg:$0x1];
	s1 =	sshll.u32 s0, $0x4  }
0x3: {  	s5 =	simm.s32 $0x1;
	s0 =	stileid.u32;
	s1 =	sand.u32 $0x10, s1  }
0x4: {  	s31 =	simm.s32 $0x2;
	s16 =	simm.s32 $0x0;
	s1 =	sor.u32 s0, s1  }
0x5: {  	s8 =	simm.s32 $0x8000;
	s18 =	simm.s32 $0x0;
	s2 =	sshll.u32 s1, $0x7  }
0x6: {  	s17 =	simm.s32 $0x0;
	s9 =	simm.s32 $0x0;
	s4 =	ssub.s32 $0x1000, s2  }
0x7: {  	s10 =	simm.s32 $0x0;
	s11 =	simm.s32 $0x0;
	s30 =	sand.u32 $0xF80, s4  }
0x8: {  	s12 =	simm.s32 $0x0;
	s13 =	simm.s32 $0x0;
	p0 =	sne.s32 s30, $0x0  }
.Ltmp0:
0x9: {  	s7 =	sshrl.u32 s4, $0xC;
	s5 =	simm.s32 @!p0 $0x0;
	(pc) =	sbr.rel .LBB1_1-.Ltmp0, $4  }
0xa: {  	s15 =	simm.s32 $0x0;
	s1 =	rddreg [dreg:$0x2];
	s5 =	sadd.s32 s5, s7  }
0xb: {  	_ =	strace $0x8000004A;
	s4 =	simm.s32 $0x1;
	s5 =	smul.u32 $0x190, s5  }
0xc: {  	s6 =	sadd.s32 $0x3A9E00, s6;
	s14 =	smov.u32 s2;
	[sflag:s4] =	ssyncpa.u1 $0x0  }
0xd: {  	[sflag:s31] =	ssyncpa.u1 $0x0;
	p0 =	por $0x0, $0x0;
	s7 =	sor.u32 $0x1, s5  }
.LBB1_4:
0xe: {  	s23 =	sshra.s32 s23, $0x2;
	s30 =	sshll.u32 s9, $0xC  }
0xf: {  	p1 =	sgt.s32 s10, $0xC7;
	s24 =	smov.u32 s10;
	s25 =	sshra.s32 s10, $0x1F  }
0x10: {  	s26 =	sshll.u32 s11, $0x3;
	s28 =	smov.u32 s11;
	s29 =	sshra.s32 s11, $0x1F  }
0x11: {  	s22 =	sadd.s32 s23, s22;
	s24 =	simm.s32 @!p1 $0xC7;
	s25 =	sand.u32 s25, s10  }
0x12: {  	s23 =	sand.u32 $0xFFFF8000, s30;
	s27 =	sand.u32 $0xFFFFFC00, s26;
	p1 =	sgt.s32 s9, $0x40  }
0x13: {  	s31 =	sand.u32 s29, s11;
	s29 =	sshll.u32 s9, $0x7;
	s30 =	sshra.s32 s9, $0x1F  }
0x14: {  	[tilespmem:s21+$0x2040 ss:$0x81] =	vst.msk $0xffff, v4;
	s24 =	ssub.s32 s24, s25;
	s23 =	sadd.s32 s27, s23;
	s27 =	smov.u32 s9  }
0x15: {  	[tilespmem:s21+$0x2850 ss:$0x81] =	vst.msk $0xffff, v3;
	s29 =	sand.u32 $0x380, s29;
	s25 =	sadd.s32 $0xFFFFFF39, s24;
	s27 =	simm.s32 @!p1 $0x40  }
0x16: {  	v5 =	vld [tilespmem:s20+$0xFFFFFFD0];
	[tilespmem:s21+$0x3060 ss:$0x81] =	vst.msk $0xffff, v2;
	p1 =	sgt.s32 s11, $0xF80;
	s23 =	sshrl.u32 s23, $0xC;
	s24 =	ssub.s32 $0xC8, s24  }
0x17: {  	v58 =	vld [tilespmem:s20+$0xFFFFFFE0];
	[tilespmem:s21+$0x0 ss:$0x81] =	vst.msk $0xffff, v1;
	s28 =	simm.s32 @!p1 $0xF80;
	p1 =	sgt.s32 s25, $0x0;
	s21 =	smulhi.u32 $0x1555556, s23  }
0x18: {  	v59 =	vld [tilespmem:s20+$0xFFFFFFF0];
	s25 =	ssub.s32 s28, s31;
	s28 =	sand.u32 s30, s9;
	s24 =	simm.s32 @p1 $0x0  }
0x19: {  	v60 =	vld [tilespmem:s20+$0x0];
	s27 =	ssub.s32 s27, s28;
	s31 =	sadd.s32 $0xFFFFF080, s25;
	s25 =	ssub.s32 $0x1000, s25  }
0x1a: {  	v61 =	vld [tilespmem:s20+$0x10];
	[tilespmem:s22+$0x3870 ss:$0x81] =	vst.msk $0xffff, v0;
	s21 =	smul.u32 $0xC0, s21;
	s28 =	sand.u32 $0x7, s11;
	p1 =	sgt.s32 s31, $0x7F  }
0x1b: {  	v62 =	vld [tilespmem:s20+$0x20];
	[tilespmem:s22+$0x810 ss:$0x81] =	vst.msk $0xffff, v5;
	s30 =	sadd.s32 $0xFFFFFFC0, s27;
	s31 =	sand.u32 $0x78, s11;
	s25 =	simm.s32 @p1 $0x0  }
0x1c: {  	v63 =	vld [tilespmem:s20+$0xFFFFFFC0];
	[tilespmem:s22+$0x1020 ss:$0x81] =	vst.msk $0xffff, v58;
	p1 =	sgt.s32 s30, $0x7F;
	s30 =	sand.u32 $0xC00, s26;
	s24 =	smul.u32 s25, s24  }
0x1d: {  	[tilespmem:s22+$0x1830 ss:$0x81] =	vst.msk $0xffff, v59;
	s26 =	ssub.s32 $0xC0, s27;
	s20 =	sor.u32 s31, s30;
	s31 =	smul.u32 $0x18000, s10  }
0x1e: {  	[tilespmem:s22+$0x2040 ss:$0x81] =	vst.msk $0xffff, v60;
	s21 =	ssub.s32 s23, s21;
	s26 =	simm.s32 @p1 $0x0;
	s20 =	sor.u32 s29, s20  }
0x1f: {  	[tilespmem:s22+$0x2850 ss:$0x81] =	vst.msk $0xffff, v61;
	s26 =	smul.u32 s26, s24;
	s20 =	sshrl.u32 s20, $0x3;
	s27 =	sadd.s32 s3, s31  }
0x20: {  	[tilespmem:s22+$0x3060 ss:$0x81] =	vst.msk $0xffff, v62;
	s21 =	sshll.u32 s21, $0x9;
	s29 =	sshll.u32 s28, $0x12;
	s20 =	sadd.s32 s20, s27  }
0x21: {  	[tilespmem:s22+$0x0 ss:$0x81] =	vst.msk $0xffff, v63;
	s31 =	sor.u32 $0x400, s29;
	s30 =	sand.u32 $0x3FFFFFFF, s26;
	s20 =	sadd.s32 s21, s20  }
0x22: {  	[hbm4b:s20+s31] =	stream.strided.scatter [tilespmem:s19], [sflag:$0x2], s30, s8, s31, $0x20;
	[tilespmem:$0x10100] =	vst v63  }
.LBB1_5:
0x23: {  	p1 =	slt.u32 s15, $0x2  }
0x24: {  	p2 =	sgt.s32 @!p1 s18, $0xC7  }
0x25: {  	s19 =	smov.u32 s18;
	s20 =	sshra.s32 @!p1 s18, $0x1F;
	p2 =	por !p2, p1  }
0x26: {  	s18 =	sand.u32 @!p1 s20, s18;
	s19 =	simm.s32 @p2 $0xC7  }
0x27: {  	p3 =	sgt.s32 @!p1 s16, $0x40;
	s18 =	ssub.s32 @!p1 s19, s18  }
0x28: {  	p4 =	sgt.s32 @!p1 s17, $0xF80;
	s21 =	sshra.s32 @!p1 s17, $0x1F;
	s19 =	sadd.s32 @!p1 $0xFFFFFF39, s18  }
0x29: {  	s20 =	smov.u32 s16;
	p2 =	sgt.s32 @!p1 s19, $0x0;
	s19 =	sshra.s32 @!p1 s16, $0x1F  }
0x2a: {  	p4 =	por !p4, p1;
	s16 =	sand.u32 @!p1 s19, s16;
	s19 =	smov.u32 s17  }
0x2b: {  	p3 =	por !p3, p1;
	s17 =	sand.u32 @!p1 s21, s17;
	s19 =	simm.s32 @p4 $0xF80  }
0x2c: {  	s20 =	simm.s32 @p3 $0x40;
	s18 =	ssub.s32 @!p1 $0xC8, s18;
	s17 =	ssub.s32 @!p1 s19, s17  }
0x2d: {  	p2 =	por !p2, p1;
	s16 =	ssub.s32 @!p1 s20, s16;
	s20 =	sadd.s32 @!p1 $0xFFFFF080, s17  }
0x2e: {  	s18 =	simm.s32 @!p2 $0x0;
	p3 =	sgt.s32 @!p1 s20, $0x7F  }
0x2f: {  	s19 =	sadd.s32 @!p1 $0xFFFFFFC0, s16;
	s17 =	ssub.s32 @!p1 $0x1000, s17;
	p3 =	por !p3, p1  }
0x30: {  	p2 =	sgt.s32 @!p1 s19, $0x7F;
	s19 =	sadd.s32 $0x80, s12;
	s17 =	simm.s32 @!p3 $0x0  }
0x31: {  	p3 =	sgt.s32 s19, $0xBF;
	s17 =	smul.u32 @!p1 s17, s18;
	s18 =	simm.s32 $0x1  }
0x32: {  	s16 =	ssub.s32 @!p1 $0xC0, s16;
	p2 =	por !p2, p1;
	s18 =	simm.s32 @!p3 $0x0  }
0x33: {  	s21 =	smov.u32 s14;
	s16 =	simm.s32 @!p2 $0x0;
	s20 =	sadd.s32 s18, s13  }
0x34: {  	s16 =	smul.u32 @!p1 s16, s17;
	s17 =	sadd.s32 $0x1000, s14;
	p2 =	sgt.s32 s20, $0xC7  }
0x35: {  	p0 =	por !p0, !p0;
	s22 =	simm.s32 @!p1 $0x2;
	s21 =	smov.u32 @p2 s17  }
0x36: {  	s19 =	simm.s32 @p3 $0x0;
	s20 =	simm.s32 @p2 $0x0;
	p2 =	sgt.s32 s21, $0xFFF  }
0x37: {  	s18 =	smov.u32 s10;
	s21 =	smov.u32 @p2 s2;
	p2 =	sne.s32 s15, s7  }
.Ltmp1:
0x38: {  	s10 =	smov.u32 s13;
	s16 =	sand.u32 @!p1 $0x3FFFFFFF, s16;
	(pc) =	sbr.rel @!p2 .LBB1_6-.Ltmp1, $4  }
0x39: {  	s17 =	smov.u32 s11;
	s11 =	smov.u32 s14;
	_ =	swait.ge @!p1 [sflag:s22], s16  }
0x3a: {  	s23 =	ssub.s32 @!p1 $0x0, s16;
	s16 =	smov.u32 s9;
	s9 =	smov.u32 s12  }
0x3b: {  	s12 =	smov.u32 s19;
	s13 =	smov.u32 s20;
	[sflag:s22] =	ssyncset.done @!p1 $0x0  }
0x3c: {  	s15 =	sadd.s32 $0x1, s15;
	[sflag:s22] =	ssyncadd.s32 @!p1 s23;
	s14 =	smov.u32 s21  }
.LBB1_1:
0x3d: {  	p1 =	sge.u32 s15, s5  }
0x3e: {  	s19 =	sshll.u32 @!p1 s13, $0x8;
	s20 =	sshll.u32 @!p1 s12, $0x3  }
0x3f: {  	s21 =	sshll.u32 @!p1 s13, $0x7;
	s19 =	sand.u32 @!p1 $0xFFFFF800, s19;
	s20 =	sand.u32 @!p1 $0xFFFFFC00, s20  }
0x40: {  	s19 =	sadd.s32 @!p1 s19, s20;
	s20 =	sand.u32 @!p1 $0x300, s21  }
0x41: {  	s19 =	sor.u32 @!p1 s20, s19  }
0x42: {  	s19 =	sshrl.u32 @!p1 s19, $0x8  }
0x43: {  	s31 =	sadd.s32 $0xFFFFFFFF, s15;
	s20 =	smulhi.u32 @!p1 $0x147AE15, s19  }
0x44: {  	s22 =	sxor.u32 @!p1 $0xFFFFFFFF, s15;
	s23 =	sand.u32 @!p1 $0x78, s12;
	s24 =	smul.u32 @!p1 $0x1900, s14  }
0x45: {  	s22 =	sshll.u32 @!p1 s22, $0xE;
	s21 =	sand.u32 @!p1 $0x80, s21;
	s20 =	smul.u32 @!p1 $0xC8, s20  }
0x46: {  	s22 =	sand.u32 @!p1 $0x4000, s22;
	s21 =	sor.u32 @!p1 s23, s21;
	s23 =	sand.u32 @!p1 $0x7, s12  }
0x47: {  	s19 =	ssub.s32 @!p1 s19, s20;
	s20 =	sshrl.u32 @!p1 s21, $0x3;
	s21 =	sadd.s32 @!p1 s6, s24  }
0x48: {  	s19 =	sshll.u32 @!p1 s19, $0x5;
	s20 =	sadd.s32 @!p1 s20, s21;
	s21 =	sshll.u32 @!p1 s23, $0x12  }
0x49: {  	s19 =	sadd.s32 @!p1 s19, s20;
	s20 =	sor.u32 @!p1 $0x80, s21;
	s21 =	simm.s32 @!p1 $0xC800  }
0x4a: {  	[tilespmem:s22], [sflag:$0x1] =	stream.strided.gather @!p1 [hbm4b:s19+s20], $0x4000, s21, s20, $0x38;
	[tilespmem:$0x10100] =	vst v63  }
0x4b: {  	p1 =	sge.u32 s31, s5  }
.Ltmp2:
0x4c: {  	_ = 	snop;
	(pc) =	sbr.rel @p1 .LBB1_5-.Ltmp2, $1  }
0x4d: {  	_ =	sdelay $0x3  }
0x4e: {  	s19 =	simm.s32 $0x1  }
0x4f: {  	_ =	swait.ge [sflag:s4], $0x4000;
	s19 =	simm.s32 @!p0 $0x0  }
0x50: {  	[sflag:s4] =	ssyncset.done $0x0;
	s20 =	sshll.u32 s19, $0xE  }
0x51: {  	[sflag:s4] =	ssyncadd.s32 $0xFFFFC000;
	s20 =	sor.u32 $0x40, s20  }
0x52: {  	s19 =	smul.u32 $0x10200, s19;
	v0 =	vld [tilespmem:s20+$0x30]  }
0x53: {  	v1 =	vld [tilespmem:s20+$0xFFFFFFD0]  }
0x54: {  	s19 =	sshrl.u32 s19, $0x2;
	v5 =	vld [tilespmem:s20+$0xFFFFFFE0]  }
0x55: {  	v6 =	vld [tilespmem:s20+$0xFFFFFFF0];
	s22 =	sor.u32 $0x8000, s19  }
0x56: {  	s31 =	sand.u32 $0x1, s15;
	v4 =	vld [tilespmem:s20+$0x0];
	s21 =	sadd.s32 $0x0, s22  }
0x57: {  	v3 =	vld [tilespmem:s20+$0x10];
	s19 =	smul.u32 $0x10200, s31;
	[tilespmem:s21+$0x3870 ss:$0x81] =	vst.msk $0xffff, v0  }
0x58: {  	v2 =	vld [tilespmem:s20+$0x20];
	[tilespmem:s21+$0x810 ss:$0x81] =	vst.msk $0xffff, v1  }
0x59: {  	s19 =	sshrl.u32 s19, $0x2;
	v1 =	vld [tilespmem:s20+$0xFFFFFFC0];
	[tilespmem:s21+$0x1020 ss:$0x81] =	vst.msk $0xffff, v5;
	s20 =	sadd.s32 $0x80, s20  }
0x5a: {  	s23 =	simm.s32 $0x4;
	s24 =	simm.s32 $0x8;
	s19 =	sor.u32 $0x8000, s19;
	[tilespmem:s21+$0x1830 ss:$0x81] =	vst.msk $0xffff, v6;
	v0 =	vld [tilespmem:s20+$0x30]  }
.LBB1_3:
0x5b: {  	p1 =	sne.s32 s24, $0x1FC;
	v5 =	vld [tilespmem:s20+$0xFFFFFFD0];
	[tilespmem:s21+$0x2040 ss:$0x81] =	vst.msk $0xffff, v4  }
0x5c: {  	v6 =	vld [tilespmem:s20+$0xFFFFFFE0];
	[tilespmem:s21+$0x2850 ss:$0x81] =	vst.msk $0xffff, v3  }
0x5d: {  	s25 =	sshra.s32 s23, $0x2;
	s23 =	smov.u32 s24;
	v7 =	vld [tilespmem:s20+$0xFFFFFFF0];
	[tilespmem:s21+$0x3060 ss:$0x81] =	vst.msk $0xffff, v2  }
.Ltmp3:
0x5e: {  	v4 =	vld [tilespmem:s20+$0x0];
	[tilespmem:s21+$0x0 ss:$0x81] =	vst.msk $0xffff, v1;
	s21 =	sadd.s32 s25, s22;
	(pc) =	sbr.rel @p1 .LBB1_3-.Ltmp3, $4  }
0x5f: {  	v3 =	vld [tilespmem:s20+$0x10];
	[tilespmem:s21+$0x3870 ss:$0x81] =	vst.msk $0xffff, v0  }
0x60: {  	[tilespmem:s21+$0x810 ss:$0x81] =	vst.msk $0xffff, v5;
	v2 =	vld [tilespmem:s20+$0x20]  }
0x61: {  	v1 =	vld [tilespmem:s20+$0xFFFFFFC0];
	[tilespmem:s21+$0x1020 ss:$0x81] =	vst.msk $0xffff, v6;
	s20 =	sadd.s32 $0x80, s20  }
0x62: {  	s24 =	sadd.s32 $0x4, s24;
	v0 =	vld [tilespmem:s20+$0x30];
	[tilespmem:s21+$0x1830 ss:$0x81] =	vst.msk $0xffff, v7  }
.Ltmp4:
0x63: {  	_ = 	snop;
	(pc) =	sbr.rel .LBB1_4-.Ltmp4, $1  }
0x64: {  	_ =	sdelay $0x3  }
.LBB1_6:
0x65: {  	_ =	sfence.sel $0x180000  }
0x66: {  	s2 =	simm.s32 $0x1;
	[bflag:$0x0] =	sbarrier.arrive $0xFFFF  }
0x67: {  	s31 =	simm.s32 $0x2;
	[sflag:s2] =	ssyncpa.u1 $0x1  }
0x68: {  	[sflag:s31] =	ssyncpa.u1 $0x1  }
0x69: {  	p0 =	sne.s32 s0, $0x0;
	_ =	strace $0x9000004A  }
0x6a: {  	s0 =	sadd.s32 @!p0 $0x100000, s1;
	[bflag:$0x2] =	sbarrier.arrive $0xFFFF  }
0x6b: {  	[sflag:s0] =	ssyncadd.tile.s32 @!p0 $0x1;
	_ =	shalt  }
.Lfunc_end1:
_tile_overlayer_lowered:
.L_overlay_start_2:
0x6c: {  	(tag) =	ssettag $0x2  }
0x6d: {  	s0 =	rddreg [dreg:$0x0];
	s2 =	stileid.u32  }
0x6e: {  	s1 =	rddreg [dreg:$0x1];
	p0 =	sne.s32 s2, $0x0  }
0x6f: {  	s3 =	rddreg [dreg:$0x2];
	[bflag:$0x3] =	sbarrier.arrive $0xFFFF;
	s2 =	simm.s32 @!p0 $0x1C01  }
0x70: {  	[timem:s3], [sflag:s2] =	dma.local @!p0 [hbm:s0], s1  }
0x71: {  	s0 =	simm.s32 @!p0 $0x1  }
0x72: {  	_ =	swait.ge @!p0 [sflag:s0], s1  }
0x73: {  	s1 =	ssub.s32 @!p0 $0x0, s1;
	[sflag:s0] =	ssyncset.done @!p0 $0x0  }
0x74: {  	[sflag:s0] =	ssyncadd.s32 @!p0 s1  }
0x75: {  	[bflag:$0x3] =	sbarrier.arrive $0xFFFF  }
0x76: {  	_ =	shalt  }

</sc_bundles>
